<compile_context>
chip_gen: v7x
topology: tpu7x:2x2x1
jax: 0.10.2.dev20260603
libtpu: 0.0.44.dev20260713+nightly
codegen_flags: <defaults>
</compile_context>

<pallas_src>
import functools

import jax
import jax.numpy as jnp
from jax import lax
from jax.experimental import pallas as pl
from jax.experimental.pallas import tpu as pltpu
from jax.experimental.pallas import tpu_sc as plsc

N = 10000
E = 320000
D = 128
NPAD = 10112
NC = 2
NS = 16
NW = NC * NS
EPT = E // NW
C = 40
NCHUNK = EPT // C
NSLOT = 3
RPT = NPAD // NS
BR = 1264
CPAD = 10240
CRPT = CPAD // NS

_MESH = plsc.VectorSubcoreMesh(core_axis_name="c", subcore_axis_name="s")


def _make_aggregate(with_counts):
    out_type = jax.ShapeDtypeStruct((NC, NPAD, D), jnp.float32)
    if with_counts:
        out_type = (out_type, jax.ShapeDtypeStruct((NC, CPAD), jnp.float32))
    scratch = [
        pltpu.VMEM_SHARED((NPAD, D), jnp.float32),
        pltpu.VMEM((NCHUNK, C), jnp.int32),
    ]
    scratch += [pltpu.VMEM((1, C), jnp.int32)] * NSLOT
    scratch += [pltpu.VMEM((C, D), jnp.float32)] * NSLOT
    scratch += [pltpu.SemaphoreType.DMA] * (3 * NSLOT)
    if with_counts:
        scratch += [
            pltpu.VMEM_SHARED((CPAD,), jnp.float32),
            pltpu.VMEM((C,), jnp.float32),
        ]
        scratch += [pltpu.SemaphoreType.DMA] * NSLOT

    def body(x_hbm, sidx_hbm, didx_hbm, z2d_hbm, z1d_hbm, ones_hbm,
             *rest):
        if with_counts:
            p_hbm, cnt_hbm = rest[0], rest[1]
            rest = rest[2:]
        else:
            p_hbm = rest[0]
            rest = rest[1:]
        acc_sh, sidx_v = rest[0], rest[1]
        didx = rest[2:2 + NSLOT]
        rows = rest[2 + NSLOT:2 + 2 * NSLOT]
        sg = rest[2 + 2 * NSLOT:2 + 3 * NSLOT]
        sd = rest[2 + 3 * NSLOT:2 + 4 * NSLOT]
        ss = rest[2 + 4 * NSLOT:2 + 5 * NSLOT]
        if with_counts:
            cnt_sh, ones_v = rest[2 + 5 * NSLOT], rest[3 + 5 * NSLOT]
            sc = rest[4 + 5 * NSLOT:4 + 6 * NSLOT]
        cid = lax.axis_index("c")
        sid = lax.axis_index("s")
        wid = cid * NS + sid
        rbase = sid * RPT

        pltpu.sync_copy(sidx_hbm.at[wid], sidx_v)
        if with_counts:
            pltpu.sync_copy(ones_hbm, ones_v)
            pltpu.sync_copy(z1d_hbm, cnt_sh.at[pl.ds(sid * CRPT, CRPT)])

        @pl.loop(0, 4)
        def _(k):
            pltpu.sync_copy(z2d_hbm, acc_sh.at[pl.ds(rbase + k * 128, 128)])
        pltpu.sync_copy(z2d_hbm.at[pl.ds(0, RPT - 512)],
                        acc_sh.at[pl.ds(rbase + 512, RPT - 512)])
        plsc.subcore_barrier()

        def fire_gather(j, k):
            pltpu.async_copy(x_hbm.at[sidx_v.at[j]], rows[k], sg[k])

        def wait_gather(j, k):
            pltpu.make_async_copy(x_hbm.at[sidx_v.at[j]], rows[k],
                                  sg[k]).wait()

        def fire_didx(j, k):
            pltpu.async_copy(didx_hbm.at[wid, pl.ds(j, 1)], didx[k], sd[k])

        def wait_didx(j, k):
            pltpu.make_async_copy(didx_hbm.at[wid, pl.ds(j, 1)], didx[k],
                                  sd[k]).wait()

        for k in range(NSLOT):
            fire_didx(k, k)
            fire_gather(k, k)

        nloop = (NCHUNK + NSLOT - 1) // NSLOT

        @pl.loop(0, nloop)
        def _(t):
            for k in range(NSLOT):
                j = t * NSLOT + k

                @pl.when(j < NCHUNK)
                def _():
                    wait_gather(j, k)
                    wait_didx(j, k)
                    pltpu.async_copy(rows[k], acc_sh.at[didx[k].at[0]],
                                     ss[k], add=True)
                    if with_counts:
                        pltpu.async_copy(ones_v, cnt_sh.at[didx[k].at[0]],
                                         sc[k], add=True)

                @pl.when(j + NSLOT < NCHUNK)
                def _():
                    pltpu.make_async_copy(rows[k], acc_sh.at[didx[k].at[0]],
                                          ss[k]).wait()
                    if with_counts:
                        pltpu.make_async_copy(ones_v,
                                              cnt_sh.at[didx[k].at[0]],
                                              sc[k]).wait()
                    fire_didx(j + NSLOT, k)
                    fire_gather(j + NSLOT, k)

        for k in range(NSLOT):
            pltpu.make_async_copy(rows[k], acc_sh.at[didx[k].at[0]],
                                  ss[k]).wait()
            if with_counts:
                pltpu.make_async_copy(ones_v, cnt_sh.at[didx[k].at[0]],
                                      sc[k]).wait()
        plsc.subcore_barrier()

        pltpu.sync_copy(acc_sh.at[pl.ds(rbase, RPT)],
                        p_hbm.at[cid, pl.ds(rbase, RPT)])
        if with_counts:
            pltpu.sync_copy(cnt_sh.at[pl.ds(sid * CRPT, CRPT)],
                            cnt_hbm.at[cid, pl.ds(sid * CRPT, CRPT)])

    return pl.kernel(body, out_type=out_type, mesh=_MESH,
                     scratch_types=scratch)


_agg_counts = _make_aggregate(True)
_agg_plain = _make_aggregate(False)


def _dense_body(pa, pb, ca, cb, xb, wl, bl, wr, o, *, relu):
    cnt = jnp.maximum(ca[0] + cb[0], 1.0)
    mean = (pa[0] + pb[0]) / cnt
    acc = lax.dot_general(mean, wl[...], (((1,), (1,)), ((), ())),
                          preferred_element_type=jnp.float32)
    acc = acc + bl[...]
    acc = acc + lax.dot_general(xb[...], wr[...], (((1,), (1,)), ((), ())),
                                preferred_element_type=jnp.float32)
    o[...] = jnp.maximum(acc, 0.0) if relu else acc


def _dense(relu):
    return pl.pallas_call(
        functools.partial(_dense_body, relu=relu),
        grid=(NPAD // BR,),
        in_specs=[
            pl.BlockSpec((1, BR, D), lambda i: (0, i, 0)),
            pl.BlockSpec((1, BR, D), lambda i: (1, i, 0)),
            pl.BlockSpec((1, BR, 1), lambda i: (0, i, 0)),
            pl.BlockSpec((1, BR, 1), lambda i: (1, i, 0)),
            pl.BlockSpec((BR, D), lambda i: (i, 0)),
            pl.BlockSpec((D, D), lambda i: (0, 0)),
            pl.BlockSpec((1, D), lambda i: (0, 0)),
            pl.BlockSpec((D, D), lambda i: (0, 0)),
        ],
        out_specs=pl.BlockSpec((BR, D), lambda i: (i, 0)),
        out_shape=jax.ShapeDtypeStruct((NPAD, D), jnp.float32),
    )


def kernel(x, edge_index, Wl1, bl1, Wr1, Wl2, bl2, Wr2):
    src = edge_index[0].astype(jnp.int32)
    dst = edge_index[1].astype(jnp.int32)
    sidx3 = src.reshape(NW, NCHUNK, C)
    didx3 = dst.reshape(NW, NCHUNK, C)
    x_pad = jnp.pad(x, ((0, NPAD - N), (0, 0)))
    z2d = jnp.zeros((128, D), jnp.float32)
    z1d = jnp.zeros((CRPT,), jnp.float32)
    ones_c = jnp.ones((C,), jnp.float32)

    p1, cnt = _agg_counts(x_pad, sidx3, didx3, z2d, z1d, ones_c)
    cnt3 = cnt[:, :NPAD].reshape(NC, NPAD, 1)
    h = _dense(True)(p1, p1, cnt3, cnt3, x_pad, Wl1, bl1.reshape(1, D), Wr1)
    p2 = _agg_plain(h, sidx3, didx3, z2d, z1d, ones_c)
    out = _dense(False)(p2, p2, cnt3, cnt3, h, Wl2, bl2.reshape(1, D), Wr2)
    return out[:N]

# --- scband reference (transcript-rebuilt; emitter-appended) ---
"""Pipeline reference for scband-graph-sage-33148557591078 (READ-ONLY COPY).

The authoritative reference and input builder live on the scoring server;
editing this copy changes nothing except your own understanding.
"""

import jax, jax.numpy as jnp
import numpy as np

N = 10000
E = 320000
D_IN = 128
D_HID = 128
D_OUT = 128


def _sage_conv(x, src, dst, W_l, b_l, W_r, num_nodes):
    # PyG SAGEConv (aggr='mean'): out = lin_l(mean_j x_j) + lin_r(x_i)
    msgs = x[src]                                          # gather  [E, d]
    agg = jax.ops.segment_sum(msgs, dst, num_segments=num_nodes)   # scatter-add [N, d]
    cnt = jax.ops.segment_sum(jnp.ones((src.shape[0],), dtype=x.dtype), dst,
                              num_segments=num_nodes)
    mean = agg / jnp.clip(cnt, 1.0, None)[:, None]
    return mean @ W_l.T + b_l + x @ W_r.T


def setup_inputs(seed: int = 0) -> dict:
    key = jax.random.key(seed)
    ks = jax.random.split(key, 8)
    x = jax.random.normal(ks[0], (N, D_IN), dtype=jnp.float32)
    edge_index = jax.random.randint(ks[1], (2, E), 0, N).astype(jnp.int64)
    s1 = 1.0 / np.sqrt(D_IN)
    s2 = 1.0 / np.sqrt(D_HID)
    Wl1 = jax.random.uniform(ks[2], (D_HID, D_IN), jnp.float32, -s1, s1)
    bl1 = jnp.zeros((D_HID,), jnp.float32)
    Wr1 = jax.random.uniform(ks[3], (D_HID, D_IN), jnp.float32, -s1, s1)
    Wl2 = jax.random.uniform(ks[4], (D_OUT, D_HID), jnp.float32, -s2, s2)
    bl2 = jnp.zeros((D_OUT,), jnp.float32)
    Wr2 = jax.random.uniform(ks[5], (D_OUT, D_HID), jnp.float32, -s2, s2)
    return {"x": x, "edge_index": edge_index, "Wl1": Wl1, "bl1": bl1, "Wr1": Wr1,
            "Wl2": Wl2, "bl2": bl2, "Wr2": Wr2}


def reference(x, edge_index, Wl1, bl1, Wr1, Wl2, bl2, Wr2):
    src = edge_index[0]
    dst = edge_index[1]
    h = _sage_conv(x, src, dst, Wl1, bl1, Wr1, N)
    h = jax.nn.relu(h)
    out = _sage_conv(h, src, dst, Wl2, bl2, Wr2, N)
    return out

if __name__ == "__main__":
    import jax
    _d = setup_inputs()
    print(jax.jit(kernel)(*tuple(_d.values())))

</pallas_src>

<mosaic_0001>
#map = affine_map<(d0, d1) -> (0, 0)>
#map1 = affine_map<(d0, d1) -> (0, 0, 0)>
#map2 = affine_map<(d0, d1) -> (0)>
module attributes {stable_mosaic.version = 14 : i64} {
  func.func @body(%arg0: i32, %arg1: i32, %arg2: memref<10112x128xf32, #tpu.memory_space<hbm>>, %arg3: memref<32x250x40xi32, #tpu.memory_space<hbm>>, %arg4: memref<32x250x40xi32, #tpu.memory_space<hbm>>, %arg5: memref<128x128xf32, #tpu.memory_space<hbm>>, %arg6: memref<640xf32, #tpu.memory_space<hbm>>, %arg7: memref<40xf32, #tpu.memory_space<hbm>>, %arg8: memref<2x10112x128xf32, #tpu.memory_space<hbm>>, %arg9: memref<10112x128xf32, #tpu.memory_space<vmem_shared>>, %arg10: memref<250x40xi32, #tpu.memory_space<vmem>>, %arg11: memref<1x40xi32, #tpu.memory_space<vmem>>, %arg12: memref<1x40xi32, #tpu.memory_space<vmem>>, %arg13: memref<1x40xi32, #tpu.memory_space<vmem>>, %arg14: memref<40x128xf32, #tpu.memory_space<vmem>>, %arg15: memref<40x128xf32, #tpu.memory_space<vmem>>, %arg16: memref<40x128xf32, #tpu.memory_space<vmem>>, %arg17: memref<!tpu.dma_semaphore, #tpu.memory_space<semaphore_mem>>, %arg18: memref<!tpu.dma_semaphore, #tpu.memory_space<semaphore_mem>>, %arg19: memref<!tpu.dma_semaphore, #tpu.memory_space<semaphore_mem>>, %arg20: memref<!tpu.dma_semaphore, #tpu.memory_space<semaphore_mem>>, %arg21: memref<!tpu.dma_semaphore, #tpu.memory_space<semaphore_mem>>, %arg22: memref<!tpu.dma_semaphore, #tpu.memory_space<semaphore_mem>>, %arg23: memref<!tpu.dma_semaphore, #tpu.memory_space<semaphore_mem>>, %arg24: memref<!tpu.dma_semaphore, #tpu.memory_space<semaphore_mem>>, %arg25: memref<!tpu.dma_semaphore, #tpu.memory_space<semaphore_mem>>) attributes {dimension_semantics = [#tpu.dimension_semantics<core_parallel>, #tpu.dimension_semantics<subcore_parallel>], iteration_bounds = array<i64: 2, 16>, scalar_prefetch = 0 : i64, scratch_operands = 17 : i64, tpu.core_type = #tpu.core_type<sc_vector_subcore>, window_params = [{transform_indices = #map}, {transform_indices = #map1}, {transform_indices = #map1}, {transform_indices = #map}, {transform_indices = #map2}, {transform_indices = #map2}, {transform_indices = #map1}]} {
    %mul3A = arith.constant 16 : i32
    %mul3A_0 = arith.muli %arg0, %mul3A : i32
    %add3A = arith.addi %mul3A_0, %arg1 : i32
    %mul3A_1 = arith.constant 632 : i32
    %mul3A_2 = arith.muli %arg1, %mul3A_1 : i32
    "tpu.region"() ({
      %run_scoped3A = tpu.sem_alloc : memref<!tpu.dma_semaphore, #tpu.memory_space<semaphore_mem>>
      %dma_start3A_79 = arith.constant 0 : i32
      %dma_start3A_80 = arith.constant 0 : i32
      %dma_start3A_81 = tpu.memref_slice %arg3[%add3A, %dma_start3A_79, %dma_start3A_80] : memref<32x250x40xi32, #tpu.memory_space<hbm>> -> memref<1x250x40xi32, #tpu.memory_space<hbm>>
      %dma_start3A_82 = tpu.memref_squeeze %dma_start3A_81 : memref<1x250x40xi32, #tpu.memory_space<hbm>> -> memref<250x40xi32, #tpu.memory_space<hbm>>
      %dma_start3A_83 = arith.constant 0 : i32
      %dma_start3A_84 = arith.constant 0 : i32
      %dma_start3A_85 = tpu.memref_slice %arg3[%add3A, %dma_start3A_83, %dma_start3A_84] : memref<32x250x40xi32, #tpu.memory_space<hbm>> -> memref<1x250x40xi32, #tpu.memory_space<hbm>>
      %dma_start3A_86 = tpu.memref_squeeze %dma_start3A_85 : memref<1x250x40xi32, #tpu.memory_space<hbm>> -> memref<250x40xi32, #tpu.memory_space<hbm>>
      tpu.enqueue_dma source(%dma_start3A_86 : memref<250x40xi32, #tpu.memory_space<hbm>>) target(%arg10 : memref<250x40xi32, #tpu.memory_space<vmem>>) target_semaphore(%run_scoped3A : memref<!tpu.dma_semaphore, #tpu.memory_space<semaphore_mem>>)
      %dma_wait3A_87 = arith.constant 0 : i32
      %dma_wait3A_88 = arith.constant 0 : i32
      %dma_wait3A_89 = tpu.memref_slice %arg3[%add3A, %dma_wait3A_87, %dma_wait3A_88] : memref<32x250x40xi32, #tpu.memory_space<hbm>> -> memref<1x250x40xi32, #tpu.memory_space<hbm>>
      %dma_wait3A_90 = tpu.memref_squeeze %dma_wait3A_89 : memref<1x250x40xi32, #tpu.memory_space<hbm>> -> memref<250x40xi32, #tpu.memory_space<hbm>>
      %dma_wait3A_91 = arith.constant 0 : i32
      %dma_wait3A_92 = arith.constant 0 : i32
      %dma_wait3A_93 = tpu.memref_slice %arg3[%add3A, %dma_wait3A_91, %dma_wait3A_92] : memref<32x250x40xi32, #tpu.memory_space<hbm>> -> memref<1x250x40xi32, #tpu.memory_space<hbm>>
      %dma_wait3A_94 = tpu.memref_squeeze %dma_wait3A_93 : memref<1x250x40xi32, #tpu.memory_space<hbm>> -> memref<250x40xi32, #tpu.memory_space<hbm>>
      tpu.wait_dma2 semaphore(%run_scoped3A : memref<!tpu.dma_semaphore, #tpu.memory_space<semaphore_mem>>) src(%dma_wait3A_94 : memref<250x40xi32, #tpu.memory_space<hbm>>) dst(%arg10 : memref<250x40xi32, #tpu.memory_space<vmem>>)
      tpu.yield
    }) : () -> ()
    %scan3A = arith.constant 0 : i32
    %scan3A_3 = arith.constant 4 : i32
    %scan3A_4 = arith.addi %scan3A, %scan3A_3 : i32
    %scan3A_5 = arith.constant 1 : i32
    scf.for %scan3A_79 = %scan3A to %scan3A_4 step %scan3A_5  : i32 {
      %mul3A_80 = arith.constant 1 : i32
      %mul3A_81 = arith.muli %scan3A_79, %mul3A_80 : i32
      %add3A_82 = arith.constant 0 : i32
      %add3A_83 = arith.addi %add3A_82, %mul3A_81 : i32
      %mul3A_84 = arith.constant 128 : i32
      %mul3A_85 = arith.muli %add3A_83, %mul3A_84 : i32
      %add3A_86 = arith.addi %mul3A_2, %mul3A_85 : i32
      "tpu.region"() ({
        %run_scoped3A = tpu.sem_alloc : memref<!tpu.dma_semaphore, #tpu.memory_space<semaphore_mem>>
        %dma_start3A_87 = arith.constant 0 : i32
        %dma_start3A_88 = tpu.memref_slice %arg9[%add3A_86, %dma_start3A_87] : memref<10112x128xf32, #tpu.memory_space<vmem_shared>> -> memref<128x128xf32, #tpu.memory_space<vmem_shared>>
        tpu.enqueue_dma source(%arg5 : memref<128x128xf32, #tpu.memory_space<hbm>>) target(%dma_start3A_88 : memref<128x128xf32, #tpu.memory_space<vmem_shared>>) target_semaphore(%run_scoped3A : memref<!tpu.dma_semaphore, #tpu.memory_space<semaphore_mem>>)
        %dma_wait3A_89 = arith.constant 0 : i32
        %dma_wait3A_90 = tpu.memref_slice %arg9[%add3A_86, %dma_wait3A_89] : memref<10112x128xf32, #tpu.memory_space<vmem_shared>> -> memref<128x128xf32, #tpu.memory_space<vmem_shared>>
        tpu.wait_dma2 semaphore(%run_scoped3A : memref<!tpu.dma_semaphore, #tpu.memory_space<semaphore_mem>>) src(%arg5 : memref<128x128xf32, #tpu.memory_space<hbm>>) dst(%dma_wait3A_90 : memref<128x128xf32, #tpu.memory_space<vmem_shared>>)
        tpu.yield
      }) : () -> ()
    }
    %scan3A_6 = arith.constant 4 : i32
    %add3A_7 = arith.constant 512 : i32
    %add3A_8 = arith.addi %mul3A_2, %add3A_7 : i32
    "tpu.region"() ({
      %run_scoped3A = tpu.sem_alloc : memref<!tpu.dma_semaphore, #tpu.memory_space<semaphore_mem>>
      %dma_start3A_79 = arith.constant 0 : i32
      %dma_start3A_80 = tpu.memref_slice %arg9[%add3A_8, %dma_start3A_79] : memref<10112x128xf32, #tpu.memory_space<vmem_shared>> -> memref<120x128xf32, #tpu.memory_space<vmem_shared>>
      %dma_start3A_81 = arith.constant 0 : i32
      %dma_start3A_82 = arith.constant 0 : i32
      %dma_start3A_83 = tpu.memref_slice %arg5[%dma_start3A_81, %dma_start3A_82] : memref<128x128xf32, #tpu.memory_space<hbm>> -> memref<120x128xf32, #tpu.memory_space<hbm>>
      tpu.enqueue_dma source(%dma_start3A_83 : memref<120x128xf32, #tpu.memory_space<hbm>>) target(%dma_start3A_80 : memref<120x128xf32, #tpu.memory_space<vmem_shared>>) target_semaphore(%run_scoped3A : memref<!tpu.dma_semaphore, #tpu.memory_space<semaphore_mem>>)
      %dma_wait3A_84 = arith.constant 0 : i32
      %dma_wait3A_85 = tpu.memref_slice %arg9[%add3A_8, %dma_wait3A_84] : memref<10112x128xf32, #tpu.memory_space<vmem_shared>> -> memref<120x128xf32, #tpu.memory_space<vmem_shared>>
      %dma_wait3A_86 = arith.constant 0 : i32
      %dma_wait3A_87 = arith.constant 0 : i32
      %dma_wait3A_88 = tpu.memref_slice %arg5[%dma_wait3A_86, %dma_wait3A_87] : memref<128x128xf32, #tpu.memory_space<hbm>> -> memref<120x128xf32, #tpu.memory_space<hbm>>
      tpu.wait_dma2 semaphore(%run_scoped3A : memref<!tpu.dma_semaphore, #tpu.memory_space<semaphore_mem>>) src(%dma_wait3A_88 : memref<120x128xf32, #tpu.memory_space<hbm>>) dst(%dma_wait3A_85 : memref<120x128xf32, #tpu.memory_space<vmem_shared>>)
      tpu.yield
    }) : () -> ()
    %barrier3A = arith.constant 0 : index
    tpu.barrier barrier_id(%barrier3A)
    %dma_start3A = arith.constant 0 : i32
    %dma_start3A_9 = arith.constant 0 : i32
    %dma_start3A_10 = tpu.memref_slice %arg4[%add3A, %dma_start3A, %dma_start3A_9] : memref<32x250x40xi32, #tpu.memory_space<hbm>> -> memref<1x1x40xi32, #tpu.memory_space<hbm>>
    %dma_start3A_11 = tpu.memref_squeeze %dma_start3A_10 : memref<1x1x40xi32, #tpu.memory_space<hbm>> -> memref<1x40xi32, #tpu.memory_space<hbm>>
    %dma_start3A_12 = arith.constant 0 : i32
    %dma_start3A_13 = arith.constant 0 : i32
    %dma_start3A_14 = tpu.memref_slice %arg4[%add3A, %dma_start3A_12, %dma_start3A_13] : memref<32x250x40xi32, #tpu.memory_space<hbm>> -> memref<1x1x40xi32, #tpu.memory_space<hbm>>
    %dma_start3A_15 = tpu.memref_squeeze %dma_start3A_14 : memref<1x1x40xi32, #tpu.memory_space<hbm>> -> memref<1x40xi32, #tpu.memory_space<hbm>>
    tpu.enqueue_dma source(%dma_start3A_15 : memref<1x40xi32, #tpu.memory_space<hbm>>) target(%arg11 : memref<1x40xi32, #tpu.memory_space<vmem>>) target_semaphore(%arg20 : memref<!tpu.dma_semaphore, #tpu.memory_space<semaphore_mem>>)
    %dma_start3A_16 = arith.constant 0 : i32
    %dma_start3A_17 = arith.constant 0 : i32
    %dma_start3A_18 = tpu.memref_slice %arg10[%dma_start3A_16, %dma_start3A_17] : memref<250x40xi32, #tpu.memory_space<vmem>> -> memref<1x40xi32, #tpu.memory_space<vmem>>
    %dma_start3A_19 = tpu.memref_squeeze %dma_start3A_18 : memref<1x40xi32, #tpu.memory_space<vmem>> -> memref<40xi32, #tpu.memory_space<vmem>>
    %dma_start3A_20 = arith.constant 0 : i32
    %dma_start3A_21 = arith.constant 0 : i32
    %dma_start3A_22 = tpu.memref_slice %arg2[%dma_start3A_20, %dma_start3A_21] : memref<10112x128xf32, #tpu.memory_space<hbm>> -> memref<10112x128xf32, #tpu.memory_space<hbm>>
    tpu.enqueue_indirect_dma source(%dma_start3A_22 : memref<10112x128xf32, #tpu.memory_space<hbm>>) target(%arg14 : memref<40x128xf32, #tpu.memory_space<vmem>>) offsets(%dma_start3A_19 : memref<40xi32, #tpu.memory_space<vmem>>) semaphore(%arg17 : memref<!tpu.dma_semaphore, #tpu.memory_space<semaphore_mem>>)
    %dma_start3A_23 = arith.constant 1 : i32
    %dma_start3A_24 = arith.constant 0 : i32
    %dma_start3A_25 = tpu.memref_slice %arg4[%add3A, %dma_start3A_23, %dma_start3A_24] : memref<32x250x40xi32, #tpu.memory_space<hbm>> -> memref<1x1x40xi32, #tpu.memory_space<hbm>>
    %dma_start3A_26 = tpu.memref_squeeze %dma_start3A_25 : memref<1x1x40xi32, #tpu.memory_space<hbm>> -> memref<1x40xi32, #tpu.memory_space<hbm>>
    %dma_start3A_27 = arith.constant 1 : i32
    %dma_start3A_28 = arith.constant 0 : i32
    %dma_start3A_29 = tpu.memref_slice %arg4[%add3A, %dma_start3A_27, %dma_start3A_28] : memref<32x250x40xi32, #tpu.memory_space<hbm>> -> memref<1x1x40xi32, #tpu.memory_space<hbm>>
    %dma_start3A_30 = tpu.memref_squeeze %dma_start3A_29 : memref<1x1x40xi32, #tpu.memory_space<hbm>> -> memref<1x40xi32, #tpu.memory_space<hbm>>
    tpu.enqueue_dma source(%dma_start3A_30 : memref<1x40xi32, #tpu.memory_space<hbm>>) target(%arg12 : memref<1x40xi32, #tpu.memory_space<vmem>>) target_semaphore(%arg21 : memref<!tpu.dma_semaphore, #tpu.memory_space<semaphore_mem>>)
    %dma_start3A_31 = arith.constant 1 : i32
    %dma_start3A_32 = arith.constant 0 : i32
    %dma_start3A_33 = tpu.memref_slice %arg10[%dma_start3A_31, %dma_start3A_32] : memref<250x40xi32, #tpu.memory_space<vmem>> -> memref<1x40xi32, #tpu.memory_space<vmem>>
    %dma_start3A_34 = tpu.memref_squeeze %dma_start3A_33 : memref<1x40xi32, #tpu.memory_space<vmem>> -> memref<40xi32, #tpu.memory_space<vmem>>
    %dma_start3A_35 = arith.constant 0 : i32
    %dma_start3A_36 = arith.constant 0 : i32
    %dma_start3A_37 = tpu.memref_slice %arg2[%dma_start3A_35, %dma_start3A_36] : memref<10112x128xf32, #tpu.memory_space<hbm>> -> memref<10112x128xf32, #tpu.memory_space<hbm>>
    tpu.enqueue_indirect_dma source(%dma_start3A_37 : memref<10112x128xf32, #tpu.memory_space<hbm>>) target(%arg15 : memref<40x128xf32, #tpu.memory_space<vmem>>) offsets(%dma_start3A_34 : memref<40xi32, #tpu.memory_space<vmem>>) semaphore(%arg18 : memref<!tpu.dma_semaphore, #tpu.memory_space<semaphore_mem>>)
    %dma_start3A_38 = arith.constant 2 : i32
    %dma_start3A_39 = arith.constant 0 : i32
    %dma_start3A_40 = tpu.memref_slice %arg4[%add3A, %dma_start3A_38, %dma_start3A_39] : memref<32x250x40xi32, #tpu.memory_space<hbm>> -> memref<1x1x40xi32, #tpu.memory_space<hbm>>
    %dma_start3A_41 = tpu.memref_squeeze %dma_start3A_40 : memref<1x1x40xi32, #tpu.memory_space<hbm>> -> memref<1x40xi32, #tpu.memory_space<hbm>>
    %dma_start3A_42 = arith.constant 2 : i32
    %dma_start3A_43 = arith.constant 0 : i32
    %dma_start3A_44 = tpu.memref_slice %arg4[%add3A, %dma_start3A_42, %dma_start3A_43] : memref<32x250x40xi32, #tpu.memory_space<hbm>> -> memref<1x1x40xi32, #tpu.memory_space<hbm>>
    %dma_start3A_45 = tpu.memref_squeeze %dma_start3A_44 : memref<1x1x40xi32, #tpu.memory_space<hbm>> -> memref<1x40xi32, #tpu.memory_space<hbm>>
    tpu.enqueue_dma source(%dma_start3A_45 : memref<1x40xi32, #tpu.memory_space<hbm>>) target(%arg13 : memref<1x40xi32, #tpu.memory_space<vmem>>) target_semaphore(%arg22 : memref<!tpu.dma_semaphore, #tpu.memory_space<semaphore_mem>>)
    %dma_start3A_46 = arith.constant 2 : i32
    %dma_start3A_47 = arith.constant 0 : i32
    %dma_start3A_48 = tpu.memref_slice %arg10[%dma_start3A_46, %dma_start3A_47] : memref<250x40xi32, #tpu.memory_space<vmem>> -> memref<1x40xi32, #tpu.memory_space<vmem>>
    %dma_start3A_49 = tpu.memref_squeeze %dma_start3A_48 : memref<1x40xi32, #tpu.memory_space<vmem>> -> memref<40xi32, #tpu.memory_space<vmem>>
    %dma_start3A_50 = arith.constant 0 : i32
    %dma_start3A_51 = arith.constant 0 : i32
    %dma_start3A_52 = tpu.memref_slice %arg2[%dma_start3A_50, %dma_start3A_51] : memref<10112x128xf32, #tpu.memory_space<hbm>> -> memref<10112x128xf32, #tpu.memory_space<hbm>>
    tpu.enqueue_indirect_dma source(%dma_start3A_52 : memref<10112x128xf32, #tpu.memory_space<hbm>>) target(%arg16 : memref<40x128xf32, #tpu.memory_space<vmem>>) offsets(%dma_start3A_49 : memref<40xi32, #tpu.memory_space<vmem>>) semaphore(%arg19 : memref<!tpu.dma_semaphore, #tpu.memory_space<semaphore_mem>>)
    %scan3A_53 = arith.constant 0 : i32
    %scan3A_54 = arith.constant 84 : i32
    %scan3A_55 = arith.addi %scan3A_53, %scan3A_54 : i32
    %scan3A_56 = arith.constant 1 : i32
    scf.for %scan3A_79 = %scan3A_53 to %scan3A_55 step %scan3A_56  : i32 {
      %mul3A_80 = arith.constant 1 : i32
      %mul3A_81 = arith.muli %scan3A_79, %mul3A_80 : i32
      %add3A_82 = arith.constant 0 : i32
      %add3A_83 = arith.addi %add3A_82, %mul3A_81 : i32
      %mul3A_84 = arith.constant 3 : i32
      %mul3A_85 = arith.muli %add3A_83, %mul3A_84 : i32
      %add3A_86 = arith.constant 0 : i32
      %add3A_87 = arith.addi %mul3A_85, %add3A_86 : i32
      %lt3A = arith.constant 250 : i32
      %lt3A_88 = arith.cmpi slt, %add3A_87, %lt3A : i32
      %convert_element_type3A = arith.extui %lt3A_88 : i1 to i32
      %cond3A = arith.constant 0 : i32
      %cond3A_89 = arith.cmpi ne, %convert_element_type3A, %cond3A : i32
      scf.if %cond3A_89 {
        %dma_wait3A_129 = arith.constant 0 : i32
        %dma_wait3A_130 = tpu.memref_slice %arg10[%add3A_87, %dma_wait3A_129] : memref<250x40xi32, #tpu.memory_space<vmem>> -> memref<1x40xi32, #tpu.memory_space<vmem>>
        %dma_wait3A_131 = tpu.memref_squeeze %dma_wait3A_130 : memref<1x40xi32, #tpu.memory_space<vmem>> -> memref<40xi32, #tpu.memory_space<vmem>>
        %dma_wait3A_132 = arith.constant 0 : i32
        %dma_wait3A_133 = arith.constant 0 : i32
        %dma_wait3A_134 = tpu.memref_slice %arg2[%dma_wait3A_132, %dma_wait3A_133] : memref<10112x128xf32, #tpu.memory_space<hbm>> -> memref<10112x128xf32, #tpu.memory_space<hbm>>
        tpu.wait_indirect_dma semaphore(%arg17 : memref<!tpu.dma_semaphore, #tpu.memory_space<semaphore_mem>>) src(%dma_wait3A_134 : memref<10112x128xf32, #tpu.memory_space<hbm>>) dst(%arg14 : memref<40x128xf32, #tpu.memory_space<vmem>>)
        %dma_wait3A_135 = arith.constant 0 : i32
        %dma_wait3A_136 = tpu.memref_slice %arg4[%add3A, %add3A_87, %dma_wait3A_135] : memref<32x250x40xi32, #tpu.memory_space<hbm>> -> memref<1x1x40xi32, #tpu.memory_space<hbm>>
        %dma_wait3A_137 = tpu.memref_squeeze %dma_wait3A_136 : memref<1x1x40xi32, #tpu.memory_space<hbm>> -> memref<1x40xi32, #tpu.memory_space<hbm>>
        %dma_wait3A_138 = arith.constant 0 : i32
        %dma_wait3A_139 = tpu.memref_slice %arg4[%add3A, %add3A_87, %dma_wait3A_138] : memref<32x250x40xi32, #tpu.memory_space<hbm>> -> memref<1x1x40xi32, #tpu.memory_space<hbm>>
        %dma_wait3A_140 = tpu.memref_squeeze %dma_wait3A_139 : memref<1x1x40xi32, #tpu.memory_space<hbm>> -> memref<1x40xi32, #tpu.memory_space<hbm>>
        tpu.wait_dma2 semaphore(%arg20 : memref<!tpu.dma_semaphore, #tpu.memory_space<semaphore_mem>>) src(%dma_wait3A_140 : memref<1x40xi32, #tpu.memory_space<hbm>>) dst(%arg11 : memref<1x40xi32, #tpu.memory_space<vmem>>)
        %dma_start3A_141 = arith.constant 0 : i32
        %dma_start3A_142 = arith.constant 0 : i32
        %dma_start3A_143 = tpu.memref_slice %arg11[%dma_start3A_141, %dma_start3A_142] : memref<1x40xi32, #tpu.memory_space<vmem>> -> memref<1x40xi32, #tpu.memory_space<vmem>>
        %dma_start3A_144 = tpu.memref_squeeze %dma_start3A_143 : memref<1x40xi32, #tpu.memory_space<vmem>> -> memref<40xi32, #tpu.memory_space<vmem>>
        %dma_start3A_145 = arith.constant 0 : i32
        %dma_start3A_146 = arith.constant 0 : i32
        %dma_start3A_147 = tpu.memref_slice %arg9[%dma_start3A_145, %dma_start3A_146] : memref<10112x128xf32, #tpu.memory_space<vmem_shared>> -> memref<10112x128xf32, #tpu.memory_space<vmem_shared>>
        tpu.enqueue_indirect_dma source(%arg14 : memref<40x128xf32, #tpu.memory_space<vmem>>) target(%dma_start3A_147 : memref<10112x128xf32, #tpu.memory_space<vmem_shared>>) offsets(%dma_start3A_144 : memref<40xi32, #tpu.memory_space<vmem>>) semaphore(%arg23 : memref<!tpu.dma_semaphore, #tpu.memory_space<semaphore_mem>>) {add = true}
      } else {
      }
      %add3A_90 = arith.constant 3 : i32
      %add3A_91 = arith.addi %add3A_87, %add3A_90 : i32
      %lt3A_92 = arith.constant 250 : i32
      %lt3A_93 = arith.cmpi slt, %add3A_91, %lt3A_92 : i32
      %convert_element_type3A_94 = arith.extui %lt3A_93 : i1 to i32
      %cond3A_95 = arith.constant 0 : i32
      %cond3A_96 = arith.cmpi ne, %convert_element_type3A_94, %cond3A_95 : i32
      scf.if %cond3A_96 {
        %dma_wait3A_129 = arith.constant 0 : i32
        %dma_wait3A_130 = arith.constant 0 : i32
        %dma_wait3A_131 = tpu.memref_slice %arg11[%dma_wait3A_129, %dma_wait3A_130] : memref<1x40xi32, #tpu.memory_space<vmem>> -> memref<1x40xi32, #tpu.memory_space<vmem>>
        %dma_wait3A_132 = tpu.memref_squeeze %dma_wait3A_131 : memref<1x40xi32, #tpu.memory_space<vmem>> -> memref<40xi32, #tpu.memory_space<vmem>>
        %dma_wait3A_133 = arith.constant 0 : i32
        %dma_wait3A_134 = arith.constant 0 : i32
        %dma_wait3A_135 = tpu.memref_slice %arg9[%dma_wait3A_133, %dma_wait3A_134] : memref<10112x128xf32, #tpu.memory_space<vmem_shared>> -> memref<10112x128xf32, #tpu.memory_space<vmem_shared>>
        tpu.wait_indirect_dma semaphore(%arg23 : memref<!tpu.dma_semaphore, #tpu.memory_space<semaphore_mem>>) src(%arg14 : memref<40x128xf32, #tpu.memory_space<vmem>>) dst(%dma_wait3A_135 : memref<10112x128xf32, #tpu.memory_space<vmem_shared>>)
        %add3A_136 = arith.constant 3 : i32
        %add3A_137 = arith.addi %add3A_87, %add3A_136 : i32
        %dma_start3A_138 = arith.constant 0 : i32
        %dma_start3A_139 = tpu.memref_slice %arg4[%add3A, %add3A_137, %dma_start3A_138] : memref<32x250x40xi32, #tpu.memory_space<hbm>> -> memref<1x1x40xi32, #tpu.memory_space<hbm>>
        %dma_start3A_140 = tpu.memref_squeeze %dma_start3A_139 : memref<1x1x40xi32, #tpu.memory_space<hbm>> -> memref<1x40xi32, #tpu.memory_space<hbm>>
        %dma_start3A_141 = arith.constant 0 : i32
        %dma_start3A_142 = tpu.memref_slice %arg4[%add3A, %add3A_137, %dma_start3A_141] : memref<32x250x40xi32, #tpu.memory_space<hbm>> -> memref<1x1x40xi32, #tpu.memory_space<hbm>>
        %dma_start3A_143 = tpu.memref_squeeze %dma_start3A_142 : memref<1x1x40xi32, #tpu.memory_space<hbm>> -> memref<1x40xi32, #tpu.memory_space<hbm>>
        tpu.enqueue_dma source(%dma_start3A_143 : memref<1x40xi32, #tpu.memory_space<hbm>>) target(%arg11 : memref<1x40xi32, #tpu.memory_space<vmem>>) target_semaphore(%arg20 : memref<!tpu.dma_semaphore, #tpu.memory_space<semaphore_mem>>)
        %add3A_144 = arith.constant 3 : i32
        %add3A_145 = arith.addi %add3A_87, %add3A_144 : i32
        %dma_start3A_146 = arith.constant 0 : i32
        %dma_start3A_147 = tpu.memref_slice %arg10[%add3A_145, %dma_start3A_146] : memref<250x40xi32, #tpu.memory_space<vmem>> -> memref<1x40xi32, #tpu.memory_space<vmem>>
        %dma_start3A_148 = tpu.memref_squeeze %dma_start3A_147 : memref<1x40xi32, #tpu.memory_space<vmem>> -> memref<40xi32, #tpu.memory_space<vmem>>
        %dma_start3A_149 = arith.constant 0 : i32
        %dma_start3A_150 = arith.constant 0 : i32
        %dma_start3A_151 = tpu.memref_slice %arg2[%dma_start3A_149, %dma_start3A_150] : memref<10112x128xf32, #tpu.memory_space<hbm>> -> memref<10112x128xf32, #tpu.memory_space<hbm>>
        tpu.enqueue_indirect_dma source(%dma_start3A_151 : memref<10112x128xf32, #tpu.memory_space<hbm>>) target(%arg14 : memref<40x128xf32, #tpu.memory_space<vmem>>) offsets(%dma_start3A_148 : memref<40xi32, #tpu.memory_space<vmem>>) semaphore(%arg17 : memref<!tpu.dma_semaphore, #tpu.memory_space<semaphore_mem>>)
      } else {
      }
      %mul3A_97 = arith.constant 3 : i32
      %mul3A_98 = arith.muli %add3A_83, %mul3A_97 : i32
      %add3A_99 = arith.constant 1 : i32
      %add3A_100 = arith.addi %mul3A_98, %add3A_99 : i32
      %lt3A_101 = arith.constant 250 : i32
      %lt3A_102 = arith.cmpi slt, %add3A_100, %lt3A_101 : i32
      %convert_element_type3A_103 = arith.extui %lt3A_102 : i1 to i32
      %cond3A_104 = arith.constant 0 : i32
      %cond3A_105 = arith.cmpi ne, %convert_element_type3A_103, %cond3A_104 : i32
      scf.if %cond3A_105 {
        %dma_wait3A_129 = arith.constant 0 : i32
        %dma_wait3A_130 = tpu.memref_slice %arg10[%add3A_100, %dma_wait3A_129] : memref<250x40xi32, #tpu.memory_space<vmem>> -> memref<1x40xi32, #tpu.memory_space<vmem>>
        %dma_wait3A_131 = tpu.memref_squeeze %dma_wait3A_130 : memref<1x40xi32, #tpu.memory_space<vmem>> -> memref<40xi32, #tpu.memory_space<vmem>>
        %dma_wait3A_132 = arith.constant 0 : i32
        %dma_wait3A_133 = arith.constant 0 : i32
        %dma_wait3A_134 = tpu.memref_slice %arg2[%dma_wait3A_132, %dma_wait3A_133] : memref<10112x128xf32, #tpu.memory_space<hbm>> -> memref<10112x128xf32, #tpu.memory_space<hbm>>
        tpu.wait_indirect_dma semaphore(%arg18 : memref<!tpu.dma_semaphore, #tpu.memory_space<semaphore_mem>>) src(%dma_wait3A_134 : memref<10112x128xf32, #tpu.memory_space<hbm>>) dst(%arg15 : memref<40x128xf32, #tpu.memory_space<vmem>>)
        %dma_wait3A_135 = arith.constant 0 : i32
        %dma_wait3A_136 = tpu.memref_slice %arg4[%add3A, %add3A_100, %dma_wait3A_135] : memref<32x250x40xi32, #tpu.memory_space<hbm>> -> memref<1x1x40xi32, #tpu.memory_space<hbm>>
        %dma_wait3A_137 = tpu.memref_squeeze %dma_wait3A_136 : memref<1x1x40xi32, #tpu.memory_space<hbm>> -> memref<1x40xi32, #tpu.memory_space<hbm>>
        %dma_wait3A_138 = arith.constant 0 : i32
        %dma_wait3A_139 = tpu.memref_slice %arg4[%add3A, %add3A_100, %dma_wait3A_138] : memref<32x250x40xi32, #tpu.memory_space<hbm>> -> memref<1x1x40xi32, #tpu.memory_space<hbm>>
        %dma_wait3A_140 = tpu.memref_squeeze %dma_wait3A_139 : memref<1x1x40xi32, #tpu.memory_space<hbm>> -> memref<1x40xi32, #tpu.memory_space<hbm>>
        tpu.wait_dma2 semaphore(%arg21 : memref<!tpu.dma_semaphore, #tpu.memory_space<semaphore_mem>>) src(%dma_wait3A_140 : memref<1x40xi32, #tpu.memory_space<hbm>>) dst(%arg12 : memref<1x40xi32, #tpu.memory_space<vmem>>)
        %dma_start3A_141 = arith.constant 0 : i32
        %dma_start3A_142 = arith.constant 0 : i32
        %dma_start3A_143 = tpu.memref_slice %arg12[%dma_start3A_141, %dma_start3A_142] : memref<1x40xi32, #tpu.memory_space<vmem>> -> memref<1x40xi32, #tpu.memory_space<vmem>>
        %dma_start3A_144 = tpu.memref_squeeze %dma_start3A_143 : memref<1x40xi32, #tpu.memory_space<vmem>> -> memref<40xi32, #tpu.memory_space<vmem>>
        %dma_start3A_145 = arith.constant 0 : i32
        %dma_start3A_146 = arith.constant 0 : i32
        %dma_start3A_147 = tpu.memref_slice %arg9[%dma_start3A_145, %dma_start3A_146] : memref<10112x128xf32, #tpu.memory_space<vmem_shared>> -> memref<10112x128xf32, #tpu.memory_space<vmem_shared>>
        tpu.enqueue_indirect_dma source(%arg15 : memref<40x128xf32, #tpu.memory_space<vmem>>) target(%dma_start3A_147 : memref<10112x128xf32, #tpu.memory_space<vmem_shared>>) offsets(%dma_start3A_144 : memref<40xi32, #tpu.memory_space<vmem>>) semaphore(%arg24 : memref<!tpu.dma_semaphore, #tpu.memory_space<semaphore_mem>>) {add = true}
      } else {
      }
      %add3A_106 = arith.constant 3 : i32
      %add3A_107 = arith.addi %add3A_100, %add3A_106 : i32
      %lt3A_108 = arith.constant 250 : i32
      %lt3A_109 = arith.cmpi slt, %add3A_107, %lt3A_108 : i32
      %convert_element_type3A_110 = arith.extui %lt3A_109 : i1 to i32
      %cond3A_111 = arith.constant 0 : i32
      %cond3A_112 = arith.cmpi ne, %convert_element_type3A_110, %cond3A_111 : i32
      scf.if %cond3A_112 {
        %dma_wait3A_129 = arith.constant 0 : i32
        %dma_wait3A_130 = arith.constant 0 : i32
        %dma_wait3A_131 = tpu.memref_slice %arg12[%dma_wait3A_129, %dma_wait3A_130] : memref<1x40xi32, #tpu.memory_space<vmem>> -> memref<1x40xi32, #tpu.memory_space<vmem>>
        %dma_wait3A_132 = tpu.memref_squeeze %dma_wait3A_131 : memref<1x40xi32, #tpu.memory_space<vmem>> -> memref<40xi32, #tpu.memory_space<vmem>>
        %dma_wait3A_133 = arith.constant 0 : i32
        %dma_wait3A_134 = arith.constant 0 : i32
        %dma_wait3A_135 = tpu.memref_slice %arg9[%dma_wait3A_133, %dma_wait3A_134] : memref<10112x128xf32, #tpu.memory_space<vmem_shared>> -> memref<10112x128xf32, #tpu.memory_space<vmem_shared>>
        tpu.wait_indirect_dma semaphore(%arg24 : memref<!tpu.dma_semaphore, #tpu.memory_space<semaphore_mem>>) src(%arg15 : memref<40x128xf32, #tpu.memory_space<vmem>>) dst(%dma_wait3A_135 : memref<10112x128xf32, #tpu.memory_space<vmem_shared>>)
        %add3A_136 = arith.constant 3 : i32
        %add3A_137 = arith.addi %add3A_100, %add3A_136 : i32
        %dma_start3A_138 = arith.constant 0 : i32
        %dma_start3A_139 = tpu.memref_slice %arg4[%add3A, %add3A_137, %dma_start3A_138] : memref<32x250x40xi32, #tpu.memory_space<hbm>> -> memref<1x1x40xi32, #tpu.memory_space<hbm>>
        %dma_start3A_140 = tpu.memref_squeeze %dma_start3A_139 : memref<1x1x40xi32, #tpu.memory_space<hbm>> -> memref<1x40xi32, #tpu.memory_space<hbm>>
        %dma_start3A_141 = arith.constant 0 : i32
        %dma_start3A_142 = tpu.memref_slice %arg4[%add3A, %add3A_137, %dma_start3A_141] : memref<32x250x40xi32, #tpu.memory_space<hbm>> -> memref<1x1x40xi32, #tpu.memory_space<hbm>>
        %dma_start3A_143 = tpu.memref_squeeze %dma_start3A_142 : memref<1x1x40xi32, #tpu.memory_space<hbm>> -> memref<1x40xi32, #tpu.memory_space<hbm>>
        tpu.enqueue_dma source(%dma_start3A_143 : memref<1x40xi32, #tpu.memory_space<hbm>>) target(%arg12 : memref<1x40xi32, #tpu.memory_space<vmem>>) target_semaphore(%arg21 : memref<!tpu.dma_semaphore, #tpu.memory_space<semaphore_mem>>)
        %add3A_144 = arith.constant 3 : i32
        %add3A_145 = arith.addi %add3A_100, %add3A_144 : i32
        %dma_start3A_146 = arith.constant 0 : i32
        %dma_start3A_147 = tpu.memref_slice %arg10[%add3A_145, %dma_start3A_146] : memref<250x40xi32, #tpu.memory_space<vmem>> -> memref<1x40xi32, #tpu.memory_space<vmem>>
        %dma_start3A_148 = tpu.memref_squeeze %dma_start3A_147 : memref<1x40xi32, #tpu.memory_space<vmem>> -> memref<40xi32, #tpu.memory_space<vmem>>
        %dma_start3A_149 = arith.constant 0 : i32
        %dma_start3A_150 = arith.constant 0 : i32
        %dma_start3A_151 = tpu.memref_slice %arg2[%dma_start3A_149, %dma_start3A_150] : memref<10112x128xf32, #tpu.memory_space<hbm>> -> memref<10112x128xf32, #tpu.memory_space<hbm>>
        tpu.enqueue_indirect_dma source(%dma_start3A_151 : memref<10112x128xf32, #tpu.memory_space<hbm>>) target(%arg15 : memref<40x128xf32, #tpu.memory_space<vmem>>) offsets(%dma_start3A_148 : memref<40xi32, #tpu.memory_space<vmem>>) semaphore(%arg18 : memref<!tpu.dma_semaphore, #tpu.memory_space<semaphore_mem>>)
      } else {
      }
      %mul3A_113 = arith.constant 3 : i32
      %mul3A_114 = arith.muli %add3A_83, %mul3A_113 : i32
      %add3A_115 = arith.constant 2 : i32
      %add3A_116 = arith.addi %mul3A_114, %add3A_115 : i32
      %lt3A_117 = arith.constant 250 : i32
      %lt3A_118 = arith.cmpi slt, %add3A_116, %lt3A_117 : i32
      %convert_element_type3A_119 = arith.extui %lt3A_118 : i1 to i32
      %cond3A_120 = arith.constant 0 : i32
      %cond3A_121 = arith.cmpi ne, %convert_element_type3A_119, %cond3A_120 : i32
      scf.if %cond3A_121 {
        %dma_wait3A_129 = arith.constant 0 : i32
        %dma_wait3A_130 = tpu.memref_slice %arg10[%add3A_116, %dma_wait3A_129] : memref<250x40xi32, #tpu.memory_space<vmem>> -> memref<1x40xi32, #tpu.memory_space<vmem>>
        %dma_wait3A_131 = tpu.memref_squeeze %dma_wait3A_130 : memref<1x40xi32, #tpu.memory_space<vmem>> -> memref<40xi32, #tpu.memory_space<vmem>>
        %dma_wait3A_132 = arith.constant 0 : i32
        %dma_wait3A_133 = arith.constant 0 : i32
        %dma_wait3A_134 = tpu.memref_slice %arg2[%dma_wait3A_132, %dma_wait3A_133] : memref<10112x128xf32, #tpu.memory_space<hbm>> -> memref<10112x128xf32, #tpu.memory_space<hbm>>
        tpu.wait_indirect_dma semaphore(%arg19 : memref<!tpu.dma_semaphore, #tpu.memory_space<semaphore_mem>>) src(%dma_wait3A_134 : memref<10112x128xf32, #tpu.memory_space<hbm>>) dst(%arg16 : memref<40x128xf32, #tpu.memory_space<vmem>>)
        %dma_wait3A_135 = arith.constant 0 : i32
        %dma_wait3A_136 = tpu.memref_slice %arg4[%add3A, %add3A_116, %dma_wait3A_135] : memref<32x250x40xi32, #tpu.memory_space<hbm>> -> memref<1x1x40xi32, #tpu.memory_space<hbm>>
        %dma_wait3A_137 = tpu.memref_squeeze %dma_wait3A_136 : memref<1x1x40xi32, #tpu.memory_space<hbm>> -> memref<1x40xi32, #tpu.memory_space<hbm>>
        %dma_wait3A_138 = arith.constant 0 : i32
        %dma_wait3A_139 = tpu.memref_slice %arg4[%add3A, %add3A_116, %dma_wait3A_138] : memref<32x250x40xi32, #tpu.memory_space<hbm>> -> memref<1x1x40xi32, #tpu.memory_space<hbm>>
        %dma_wait3A_140 = tpu.memref_squeeze %dma_wait3A_139 : memref<1x1x40xi32, #tpu.memory_space<hbm>> -> memref<1x40xi32, #tpu.memory_space<hbm>>
        tpu.wait_dma2 semaphore(%arg22 : memref<!tpu.dma_semaphore, #tpu.memory_space<semaphore_mem>>) src(%dma_wait3A_140 : memref<1x40xi32, #tpu.memory_space<hbm>>) dst(%arg13 : memref<1x40xi32, #tpu.memory_space<vmem>>)
        %dma_start3A_141 = arith.constant 0 : i32
        %dma_start3A_142 = arith.constant 0 : i32
        %dma_start3A_143 = tpu.memref_slice %arg13[%dma_start3A_141, %dma_start3A_142] : memref<1x40xi32, #tpu.memory_space<vmem>> -> memref<1x40xi32, #tpu.memory_space<vmem>>
        %dma_start3A_144 = tpu.memref_squeeze %dma_start3A_143 : memref<1x40xi32, #tpu.memory_space<vmem>> -> memref<40xi32, #tpu.memory_space<vmem>>
        %dma_start3A_145 = arith.constant 0 : i32
        %dma_start3A_146 = arith.constant 0 : i32
        %dma_start3A_147 = tpu.memref_slice %arg9[%dma_start3A_145, %dma_start3A_146] : memref<10112x128xf32, #tpu.memory_space<vmem_shared>> -> memref<10112x128xf32, #tpu.memory_space<vmem_shared>>
        tpu.enqueue_indirect_dma source(%arg16 : memref<40x128xf32, #tpu.memory_space<vmem>>) target(%dma_start3A_147 : memref<10112x128xf32, #tpu.memory_space<vmem_shared>>) offsets(%dma_start3A_144 : memref<40xi32, #tpu.memory_space<vmem>>) semaphore(%arg25 : memref<!tpu.dma_semaphore, #tpu.memory_space<semaphore_mem>>) {add = true}
      } else {
      }
      %add3A_122 = arith.constant 3 : i32
      %add3A_123 = arith.addi %add3A_116, %add3A_122 : i32
      %lt3A_124 = arith.constant 250 : i32
      %lt3A_125 = arith.cmpi slt, %add3A_123, %lt3A_124 : i32
      %convert_element_type3A_126 = arith.extui %lt3A_125 : i1 to i32
      %cond3A_127 = arith.constant 0 : i32
      %cond3A_128 = arith.cmpi ne, %convert_element_type3A_126, %cond3A_127 : i32
      scf.if %cond3A_128 {
        %dma_wait3A_129 = arith.constant 0 : i32
        %dma_wait3A_130 = arith.constant 0 : i32
        %dma_wait3A_131 = tpu.memref_slice %arg13[%dma_wait3A_129, %dma_wait3A_130] : memref<1x40xi32, #tpu.memory_space<vmem>> -> memref<1x40xi32, #tpu.memory_space<vmem>>
        %dma_wait3A_132 = tpu.memref_squeeze %dma_wait3A_131 : memref<1x40xi32, #tpu.memory_space<vmem>> -> memref<40xi32, #tpu.memory_space<vmem>>
        %dma_wait3A_133 = arith.constant 0 : i32
        %dma_wait3A_134 = arith.constant 0 : i32
        %dma_wait3A_135 = tpu.memref_slice %arg9[%dma_wait3A_133, %dma_wait3A_134] : memref<10112x128xf32, #tpu.memory_space<vmem_shared>> -> memref<10112x128xf32, #tpu.memory_space<vmem_shared>>
        tpu.wait_indirect_dma semaphore(%arg25 : memref<!tpu.dma_semaphore, #tpu.memory_space<semaphore_mem>>) src(%arg16 : memref<40x128xf32, #tpu.memory_space<vmem>>) dst(%dma_wait3A_135 : memref<10112x128xf32, #tpu.memory_space<vmem_shared>>)
        %add3A_136 = arith.constant 3 : i32
        %add3A_137 = arith.addi %add3A_116, %add3A_136 : i32
        %dma_start3A_138 = arith.constant 0 : i32
        %dma_start3A_139 = tpu.memref_slice %arg4[%add3A, %add3A_137, %dma_start3A_138] : memref<32x250x40xi32, #tpu.memory_space<hbm>> -> memref<1x1x40xi32, #tpu.memory_space<hbm>>
        %dma_start3A_140 = tpu.memref_squeeze %dma_start3A_139 : memref<1x1x40xi32, #tpu.memory_space<hbm>> -> memref<1x40xi32, #tpu.memory_space<hbm>>
        %dma_start3A_141 = arith.constant 0 : i32
        %dma_start3A_142 = tpu.memref_slice %arg4[%add3A, %add3A_137, %dma_start3A_141] : memref<32x250x40xi32, #tpu.memory_space<hbm>> -> memref<1x1x40xi32, #tpu.memory_space<hbm>>
        %dma_start3A_143 = tpu.memref_squeeze %dma_start3A_142 : memref<1x1x40xi32, #tpu.memory_space<hbm>> -> memref<1x40xi32, #tpu.memory_space<hbm>>
        tpu.enqueue_dma source(%dma_start3A_143 : memref<1x40xi32, #tpu.memory_space<hbm>>) target(%arg13 : memref<1x40xi32, #tpu.memory_space<vmem>>) target_semaphore(%arg22 : memref<!tpu.dma_semaphore, #tpu.memory_space<semaphore_mem>>)
        %add3A_144 = arith.constant 3 : i32
        %add3A_145 = arith.addi %add3A_116, %add3A_144 : i32
        %dma_start3A_146 = arith.constant 0 : i32
        %dma_start3A_147 = tpu.memref_slice %arg10[%add3A_145, %dma_start3A_146] : memref<250x40xi32, #tpu.memory_space<vmem>> -> memref<1x40xi32, #tpu.memory_space<vmem>>
        %dma_start3A_148 = tpu.memref_squeeze %dma_start3A_147 : memref<1x40xi32, #tpu.memory_space<vmem>> -> memref<40xi32, #tpu.memory_space<vmem>>
        %dma_start3A_149 = arith.constant 0 : i32
        %dma_start3A_150 = arith.constant 0 : i32
        %dma_start3A_151 = tpu.memref_slice %arg2[%dma_start3A_149, %dma_start3A_150] : memref<10112x128xf32, #tpu.memory_space<hbm>> -> memref<10112x128xf32, #tpu.memory_space<hbm>>
        tpu.enqueue_indirect_dma source(%dma_start3A_151 : memref<10112x128xf32, #tpu.memory_space<hbm>>) target(%arg16 : memref<40x128xf32, #tpu.memory_space<vmem>>) offsets(%dma_start3A_148 : memref<40xi32, #tpu.memory_space<vmem>>) semaphore(%arg19 : memref<!tpu.dma_semaphore, #tpu.memory_space<semaphore_mem>>)
      } else {
      }
    }
    %scan3A_57 = arith.constant 84 : i32
    %dma_wait3A = arith.constant 0 : i32
    %dma_wait3A_58 = arith.constant 0 : i32
    %dma_wait3A_59 = tpu.memref_slice %arg11[%dma_wait3A, %dma_wait3A_58] : memref<1x40xi32, #tpu.memory_space<vmem>> -> memref<1x40xi32, #tpu.memory_space<vmem>>
    %dma_wait3A_60 = tpu.memref_squeeze %dma_wait3A_59 : memref<1x40xi32, #tpu.memory_space<vmem>> -> memref<40xi32, #tpu.memory_space<vmem>>
    %dma_wait3A_61 = arith.constant 0 : i32
    %dma_wait3A_62 = arith.constant 0 : i32
    %dma_wait3A_63 = tpu.memref_slice %arg9[%dma_wait3A_61, %dma_wait3A_62] : memref<10112x128xf32, #tpu.memory_space<vmem_shared>> -> memref<10112x128xf32, #tpu.memory_space<vmem_shared>>
    tpu.wait_indirect_dma semaphore(%arg23 : memref<!tpu.dma_semaphore, #tpu.memory_space<semaphore_mem>>) src(%arg14 : memref<40x128xf32, #tpu.memory_space<vmem>>) dst(%dma_wait3A_63 : memref<10112x128xf32, #tpu.memory_space<vmem_shared>>)
    %dma_wait3A_64 = arith.constant 0 : i32
    %dma_wait3A_65 = arith.constant 0 : i32
    %dma_wait3A_66 = tpu.memref_slice %arg12[%dma_wait3A_64, %dma_wait3A_65] : memref<1x40xi32, #tpu.memory_space<vmem>> -> memref<1x40xi32, #tpu.memory_space<vmem>>
    %dma_wait3A_67 = tpu.memref_squeeze %dma_wait3A_66 : memref<1x40xi32, #tpu.memory_space<vmem>> -> memref<40xi32, #tpu.memory_space<vmem>>
    %dma_wait3A_68 = arith.constant 0 : i32
    %dma_wait3A_69 = arith.constant 0 : i32
    %dma_wait3A_70 = tpu.memref_slice %arg9[%dma_wait3A_68, %dma_wait3A_69] : memref<10112x128xf32, #tpu.memory_space<vmem_shared>> -> memref<10112x128xf32, #tpu.memory_space<vmem_shared>>
    tpu.wait_indirect_dma semaphore(%arg24 : memref<!tpu.dma_semaphore, #tpu.memory_space<semaphore_mem>>) src(%arg15 : memref<40x128xf32, #tpu.memory_space<vmem>>) dst(%dma_wait3A_70 : memref<10112x128xf32, #tpu.memory_space<vmem_shared>>)
    %dma_wait3A_71 = arith.constant 0 : i32
    %dma_wait3A_72 = arith.constant 0 : i32
    %dma_wait3A_73 = tpu.memref_slice %arg13[%dma_wait3A_71, %dma_wait3A_72] : memref<1x40xi32, #tpu.memory_space<vmem>> -> memref<1x40xi32, #tpu.memory_space<vmem>>
    %dma_wait3A_74 = tpu.memref_squeeze %dma_wait3A_73 : memref<1x40xi32, #tpu.memory_space<vmem>> -> memref<40xi32, #tpu.memory_space<vmem>>
    %dma_wait3A_75 = arith.constant 0 : i32
    %dma_wait3A_76 = arith.constant 0 : i32
    %dma_wait3A_77 = tpu.memref_slice %arg9[%dma_wait3A_75, %dma_wait3A_76] : memref<10112x128xf32, #tpu.memory_space<vmem_shared>> -> memref<10112x128xf32, #tpu.memory_space<vmem_shared>>
    tpu.wait_indirect_dma semaphore(%arg25 : memref<!tpu.dma_semaphore, #tpu.memory_space<semaphore_mem>>) src(%arg16 : memref<40x128xf32, #tpu.memory_space<vmem>>) dst(%dma_wait3A_77 : memref<10112x128xf32, #tpu.memory_space<vmem_shared>>)
    %barrier3A_78 = arith.constant 0 : index
    tpu.barrier barrier_id(%barrier3A_78)
    "tpu.region"() ({
      %run_scoped3A = tpu.sem_alloc : memref<!tpu.dma_semaphore, #tpu.memory_space<semaphore_mem>>
      %dma_start3A_79 = arith.constant 0 : i32
      %dma_start3A_80 = tpu.memref_slice %arg8[%arg0, %mul3A_2, %dma_start3A_79] : memref<2x10112x128xf32, #tpu.memory_space<hbm>> -> memref<1x632x128xf32, #tpu.memory_space<hbm>>
      %dma_start3A_81 = tpu.memref_squeeze %dma_start3A_80 : memref<1x632x128xf32, #tpu.memory_space<hbm>> -> memref<632x128xf32, #tpu.memory_space<hbm>>
      %dma_start3A_82 = arith.constant 0 : i32
      %dma_start3A_83 = tpu.memref_slice %arg9[%mul3A_2, %dma_start3A_82] : memref<10112x128xf32, #tpu.memory_space<vmem_shared>> -> memref<632x128xf32, #tpu.memory_space<vmem_shared>>
      tpu.enqueue_dma source(%dma_start3A_83 : memref<632x128xf32, #tpu.memory_space<vmem_shared>>) target(%dma_start3A_81 : memref<632x128xf32, #tpu.memory_space<hbm>>) target_semaphore(%run_scoped3A : memref<!tpu.dma_semaphore, #tpu.memory_space<semaphore_mem>>)
      %dma_wait3A_84 = arith.constant 0 : i32
      %dma_wait3A_85 = tpu.memref_slice %arg8[%arg0, %mul3A_2, %dma_wait3A_84] : memref<2x10112x128xf32, #tpu.memory_space<hbm>> -> memref<1x632x128xf32, #tpu.memory_space<hbm>>
      %dma_wait3A_86 = tpu.memref_squeeze %dma_wait3A_85 : memref<1x632x128xf32, #tpu.memory_space<hbm>> -> memref<632x128xf32, #tpu.memory_space<hbm>>
      %dma_wait3A_87 = arith.constant 0 : i32
      %dma_wait3A_88 = tpu.memref_slice %arg9[%mul3A_2, %dma_wait3A_87] : memref<10112x128xf32, #tpu.memory_space<vmem_shared>> -> memref<632x128xf32, #tpu.memory_space<vmem_shared>>
      tpu.wait_dma2 semaphore(%run_scoped3A : memref<!tpu.dma_semaphore, #tpu.memory_space<semaphore_mem>>) src(%dma_wait3A_88 : memref<632x128xf32, #tpu.memory_space<vmem_shared>>) dst(%dma_wait3A_86 : memref<632x128xf32, #tpu.memory_space<hbm>>)
      tpu.yield
    }) : () -> ()
    return
  }
}

#map = affine_map<(d0, d1) -> (0, 0)>
#map1 = affine_map<(d0, d1) -> (0, 0, 0)>
#map2 = affine_map<(d0, d1) -> (0)>
module attributes {stable_mosaic.version = 14 : i64} {
  func.func @body(%arg0: i32, %arg1: i32, %arg2: memref<10112x128xf32, #tpu.memory_space<hbm>>, %arg3: memref<32x250x40xi32, #tpu.memory_space<hbm>>, %arg4: memref<32x250x40xi32, #tpu.memory_space<hbm>>, %arg5: memref<128x128xf32, #tpu.memory_space<hbm>>, %arg6: memref<640xf32, #tpu.memory_space<hbm>>, %arg7: memref<40xf32, #tpu.memory_space<hbm>>, %arg8: memref<2x10112x128xf32, #tpu.memory_space<hbm>>, %arg9: memref<2x10240xf32, #tpu.memory_space<hbm>>, %arg10: memref<10112x128xf32, #tpu.memory_space<vmem_shared>>, %arg11: memref<250x40xi32, #tpu.memory_space<vmem>>, %arg12: memref<1x40xi32, #tpu.memory_space<vmem>>, %arg13: memref<1x40xi32, #tpu.memory_space<vmem>>, %arg14: memref<1x40xi32, #tpu.memory_space<vmem>>, %arg15: memref<40x128xf32, #tpu.memory_space<vmem>>, %arg16: memref<40x128xf32, #tpu.memory_space<vmem>>, %arg17: memref<40x128xf32, #tpu.memory_space<vmem>>, %arg18: memref<!tpu.dma_semaphore, #tpu.memory_space<semaphore_mem>>, %arg19: memref<!tpu.dma_semaphore, #tpu.memory_space<semaphore_mem>>, %arg20: memref<!tpu.dma_semaphore, #tpu.memory_space<semaphore_mem>>, %arg21: memref<!tpu.dma_semaphore, #tpu.memory_space<semaphore_mem>>, %arg22: memref<!tpu.dma_semaphore, #tpu.memory_space<semaphore_mem>>, %arg23: memref<!tpu.dma_semaphore, #tpu.memory_space<semaphore_mem>>, %arg24: memref<!tpu.dma_semaphore, #tpu.memory_space<semaphore_mem>>, %arg25: memref<!tpu.dma_semaphore, #tpu.memory_space<semaphore_mem>>, %arg26: memref<!tpu.dma_semaphore, #tpu.memory_space<semaphore_mem>>, %arg27: memref<10240xf32, #tpu.memory_space<vmem_shared>>, %arg28: memref<40xf32, #tpu.memory_space<vmem>>, %arg29: memref<!tpu.dma_semaphore, #tpu.memory_space<semaphore_mem>>, %arg30: memref<!tpu.dma_semaphore, #tpu.memory_space<semaphore_mem>>, %arg31: memref<!tpu.dma_semaphore, #tpu.memory_space<semaphore_mem>>) attributes {dimension_semantics = [#tpu.dimension_semantics<core_parallel>, #tpu.dimension_semantics<subcore_parallel>], iteration_bounds = array<i64: 2, 16>, scalar_prefetch = 0 : i64, scratch_operands = 22 : i64, tpu.core_type = #tpu.core_type<sc_vector_subcore>, window_params = [{transform_indices = #map}, {transform_indices = #map1}, {transform_indices = #map1}, {transform_indices = #map}, {transform_indices = #map2}, {transform_indices = #map2}, {transform_indices = #map1}, {transform_indices = #map}]} {
    %mul3A = arith.constant 16 : i32
    %mul3A_0 = arith.muli %arg0, %mul3A : i32
    %add3A = arith.addi %mul3A_0, %arg1 : i32
    %mul3A_1 = arith.constant 632 : i32
    %mul3A_2 = arith.muli %arg1, %mul3A_1 : i32
    "tpu.region"() ({
      %run_scoped3A = tpu.sem_alloc : memref<!tpu.dma_semaphore, #tpu.memory_space<semaphore_mem>>
      %dma_start3A_103 = arith.constant 0 : i32
      %dma_start3A_104 = arith.constant 0 : i32
      %dma_start3A_105 = tpu.memref_slice %arg3[%add3A, %dma_start3A_103, %dma_start3A_104] : memref<32x250x40xi32, #tpu.memory_space<hbm>> -> memref<1x250x40xi32, #tpu.memory_space<hbm>>
      %dma_start3A_106 = tpu.memref_squeeze %dma_start3A_105 : memref<1x250x40xi32, #tpu.memory_space<hbm>> -> memref<250x40xi32, #tpu.memory_space<hbm>>
      %dma_start3A_107 = arith.constant 0 : i32
      %dma_start3A_108 = arith.constant 0 : i32
      %dma_start3A_109 = tpu.memref_slice %arg3[%add3A, %dma_start3A_107, %dma_start3A_108] : memref<32x250x40xi32, #tpu.memory_space<hbm>> -> memref<1x250x40xi32, #tpu.memory_space<hbm>>
      %dma_start3A_110 = tpu.memref_squeeze %dma_start3A_109 : memref<1x250x40xi32, #tpu.memory_space<hbm>> -> memref<250x40xi32, #tpu.memory_space<hbm>>
      tpu.enqueue_dma source(%dma_start3A_110 : memref<250x40xi32, #tpu.memory_space<hbm>>) target(%arg11 : memref<250x40xi32, #tpu.memory_space<vmem>>) target_semaphore(%run_scoped3A : memref<!tpu.dma_semaphore, #tpu.memory_space<semaphore_mem>>)
      %dma_wait3A_111 = arith.constant 0 : i32
      %dma_wait3A_112 = arith.constant 0 : i32
      %dma_wait3A_113 = tpu.memref_slice %arg3[%add3A, %dma_wait3A_111, %dma_wait3A_112] : memref<32x250x40xi32, #tpu.memory_space<hbm>> -> memref<1x250x40xi32, #tpu.memory_space<hbm>>
      %dma_wait3A_114 = tpu.memref_squeeze %dma_wait3A_113 : memref<1x250x40xi32, #tpu.memory_space<hbm>> -> memref<250x40xi32, #tpu.memory_space<hbm>>
      %dma_wait3A_115 = arith.constant 0 : i32
      %dma_wait3A_116 = arith.constant 0 : i32
      %dma_wait3A_117 = tpu.memref_slice %arg3[%add3A, %dma_wait3A_115, %dma_wait3A_116] : memref<32x250x40xi32, #tpu.memory_space<hbm>> -> memref<1x250x40xi32, #tpu.memory_space<hbm>>
      %dma_wait3A_118 = tpu.memref_squeeze %dma_wait3A_117 : memref<1x250x40xi32, #tpu.memory_space<hbm>> -> memref<250x40xi32, #tpu.memory_space<hbm>>
      tpu.wait_dma2 semaphore(%run_scoped3A : memref<!tpu.dma_semaphore, #tpu.memory_space<semaphore_mem>>) src(%dma_wait3A_118 : memref<250x40xi32, #tpu.memory_space<hbm>>) dst(%arg11 : memref<250x40xi32, #tpu.memory_space<vmem>>)
      tpu.yield
    }) : () -> ()
    "tpu.region"() ({
      %run_scoped3A = tpu.sem_alloc : memref<!tpu.dma_semaphore, #tpu.memory_space<semaphore_mem>>
      tpu.enqueue_dma source(%arg7 : memref<40xf32, #tpu.memory_space<hbm>>) target(%arg28 : memref<40xf32, #tpu.memory_space<vmem>>) target_semaphore(%run_scoped3A : memref<!tpu.dma_semaphore, #tpu.memory_space<semaphore_mem>>)
      tpu.wait_dma2 semaphore(%run_scoped3A : memref<!tpu.dma_semaphore, #tpu.memory_space<semaphore_mem>>) src(%arg7 : memref<40xf32, #tpu.memory_space<hbm>>) dst(%arg28 : memref<40xf32, #tpu.memory_space<vmem>>)
      tpu.yield
    }) : () -> ()
    %mul3A_3 = arith.constant 640 : i32
    %mul3A_4 = arith.muli %arg1, %mul3A_3 : i32
    "tpu.region"() ({
      %run_scoped3A = tpu.sem_alloc : memref<!tpu.dma_semaphore, #tpu.memory_space<semaphore_mem>>
      %dma_start3A_103 = tpu.memref_slice %arg27[%mul3A_4] : memref<10240xf32, #tpu.memory_space<vmem_shared>> -> memref<640xf32, #tpu.memory_space<vmem_shared>>
      tpu.enqueue_dma source(%arg6 : memref<640xf32, #tpu.memory_space<hbm>>) target(%dma_start3A_103 : memref<640xf32, #tpu.memory_space<vmem_shared>>) target_semaphore(%run_scoped3A : memref<!tpu.dma_semaphore, #tpu.memory_space<semaphore_mem>>)
      %dma_wait3A_104 = tpu.memref_slice %arg27[%mul3A_4] : memref<10240xf32, #tpu.memory_space<vmem_shared>> -> memref<640xf32, #tpu.memory_space<vmem_shared>>
      tpu.wait_dma2 semaphore(%run_scoped3A : memref<!tpu.dma_semaphore, #tpu.memory_space<semaphore_mem>>) src(%arg6 : memref<640xf32, #tpu.memory_space<hbm>>) dst(%dma_wait3A_104 : memref<640xf32, #tpu.memory_space<vmem_shared>>)
      tpu.yield
    }) : () -> ()
    %scan3A = arith.constant 0 : i32
    %scan3A_5 = arith.constant 4 : i32
    %scan3A_6 = arith.addi %scan3A, %scan3A_5 : i32
    %scan3A_7 = arith.constant 1 : i32
    scf.for %scan3A_103 = %scan3A to %scan3A_6 step %scan3A_7  : i32 {
      %mul3A_104 = arith.constant 1 : i32
      %mul3A_105 = arith.muli %scan3A_103, %mul3A_104 : i32
      %add3A_106 = arith.constant 0 : i32
      %add3A_107 = arith.addi %add3A_106, %mul3A_105 : i32
      %mul3A_108 = arith.constant 128 : i32
      %mul3A_109 = arith.muli %add3A_107, %mul3A_108 : i32
      %add3A_110 = arith.addi %mul3A_2, %mul3A_109 : i32
      "tpu.region"() ({
        %run_scoped3A = tpu.sem_alloc : memref<!tpu.dma_semaphore, #tpu.memory_space<semaphore_mem>>
        %dma_start3A_111 = arith.constant 0 : i32
        %dma_start3A_112 = tpu.memref_slice %arg10[%add3A_110, %dma_start3A_111] : memref<10112x128xf32, #tpu.memory_space<vmem_shared>> -> memref<128x128xf32, #tpu.memory_space<vmem_shared>>
        tpu.enqueue_dma source(%arg5 : memref<128x128xf32, #tpu.memory_space<hbm>>) target(%dma_start3A_112 : memref<128x128xf32, #tpu.memory_space<vmem_shared>>) target_semaphore(%run_scoped3A : memref<!tpu.dma_semaphore, #tpu.memory_space<semaphore_mem>>)
        %dma_wait3A_113 = arith.constant 0 : i32
        %dma_wait3A_114 = tpu.memref_slice %arg10[%add3A_110, %dma_wait3A_113] : memref<10112x128xf32, #tpu.memory_space<vmem_shared>> -> memref<128x128xf32, #tpu.memory_space<vmem_shared>>
        tpu.wait_dma2 semaphore(%run_scoped3A : memref<!tpu.dma_semaphore, #tpu.memory_space<semaphore_mem>>) src(%arg5 : memref<128x128xf32, #tpu.memory_space<hbm>>) dst(%dma_wait3A_114 : memref<128x128xf32, #tpu.memory_space<vmem_shared>>)
        tpu.yield
      }) : () -> ()
    }
    %scan3A_8 = arith.constant 4 : i32
    %add3A_9 = arith.constant 512 : i32
    %add3A_10 = arith.addi %mul3A_2, %add3A_9 : i32
    "tpu.region"() ({
      %run_scoped3A = tpu.sem_alloc : memref<!tpu.dma_semaphore, #tpu.memory_space<semaphore_mem>>
      %dma_start3A_103 = arith.constant 0 : i32
      %dma_start3A_104 = tpu.memref_slice %arg10[%add3A_10, %dma_start3A_103] : memref<10112x128xf32, #tpu.memory_space<vmem_shared>> -> memref<120x128xf32, #tpu.memory_space<vmem_shared>>
      %dma_start3A_105 = arith.constant 0 : i32
      %dma_start3A_106 = arith.constant 0 : i32
      %dma_start3A_107 = tpu.memref_slice %arg5[%dma_start3A_105, %dma_start3A_106] : memref<128x128xf32, #tpu.memory_space<hbm>> -> memref<120x128xf32, #tpu.memory_space<hbm>>
      tpu.enqueue_dma source(%dma_start3A_107 : memref<120x128xf32, #tpu.memory_space<hbm>>) target(%dma_start3A_104 : memref<120x128xf32, #tpu.memory_space<vmem_shared>>) target_semaphore(%run_scoped3A : memref<!tpu.dma_semaphore, #tpu.memory_space<semaphore_mem>>)
      %dma_wait3A_108 = arith.constant 0 : i32
      %dma_wait3A_109 = tpu.memref_slice %arg10[%add3A_10, %dma_wait3A_108] : memref<10112x128xf32, #tpu.memory_space<vmem_shared>> -> memref<120x128xf32, #tpu.memory_space<vmem_shared>>
      %dma_wait3A_110 = arith.constant 0 : i32
      %dma_wait3A_111 = arith.constant 0 : i32
      %dma_wait3A_112 = tpu.memref_slice %arg5[%dma_wait3A_110, %dma_wait3A_111] : memref<128x128xf32, #tpu.memory_space<hbm>> -> memref<120x128xf32, #tpu.memory_space<hbm>>
      tpu.wait_dma2 semaphore(%run_scoped3A : memref<!tpu.dma_semaphore, #tpu.memory_space<semaphore_mem>>) src(%dma_wait3A_112 : memref<120x128xf32, #tpu.memory_space<hbm>>) dst(%dma_wait3A_109 : memref<120x128xf32, #tpu.memory_space<vmem_shared>>)
      tpu.yield
    }) : () -> ()
    %barrier3A = arith.constant 0 : index
    tpu.barrier barrier_id(%barrier3A)
    %dma_start3A = arith.constant 0 : i32
    %dma_start3A_11 = arith.constant 0 : i32
    %dma_start3A_12 = tpu.memref_slice %arg4[%add3A, %dma_start3A, %dma_start3A_11] : memref<32x250x40xi32, #tpu.memory_space<hbm>> -> memref<1x1x40xi32, #tpu.memory_space<hbm>>
    %dma_start3A_13 = tpu.memref_squeeze %dma_start3A_12 : memref<1x1x40xi32, #tpu.memory_space<hbm>> -> memref<1x40xi32, #tpu.memory_space<hbm>>
    %dma_start3A_14 = arith.constant 0 : i32
    %dma_start3A_15 = arith.constant 0 : i32
    %dma_start3A_16 = tpu.memref_slice %arg4[%add3A, %dma_start3A_14, %dma_start3A_15] : memref<32x250x40xi32, #tpu.memory_space<hbm>> -> memref<1x1x40xi32, #tpu.memory_space<hbm>>
    %dma_start3A_17 = tpu.memref_squeeze %dma_start3A_16 : memref<1x1x40xi32, #tpu.memory_space<hbm>> -> memref<1x40xi32, #tpu.memory_space<hbm>>
    tpu.enqueue_dma source(%dma_start3A_17 : memref<1x40xi32, #tpu.memory_space<hbm>>) target(%arg12 : memref<1x40xi32, #tpu.memory_space<vmem>>) target_semaphore(%arg21 : memref<!tpu.dma_semaphore, #tpu.memory_space<semaphore_mem>>)
    %dma_start3A_18 = arith.constant 0 : i32
    %dma_start3A_19 = arith.constant 0 : i32
    %dma_start3A_20 = tpu.memref_slice %arg11[%dma_start3A_18, %dma_start3A_19] : memref<250x40xi32, #tpu.memory_space<vmem>> -> memref<1x40xi32, #tpu.memory_space<vmem>>
    %dma_start3A_21 = tpu.memref_squeeze %dma_start3A_20 : memref<1x40xi32, #tpu.memory_space<vmem>> -> memref<40xi32, #tpu.memory_space<vmem>>
    %dma_start3A_22 = arith.constant 0 : i32
    %dma_start3A_23 = arith.constant 0 : i32
    %dma_start3A_24 = tpu.memref_slice %arg2[%dma_start3A_22, %dma_start3A_23] : memref<10112x128xf32, #tpu.memory_space<hbm>> -> memref<10112x128xf32, #tpu.memory_space<hbm>>
    tpu.enqueue_indirect_dma source(%dma_start3A_24 : memref<10112x128xf32, #tpu.memory_space<hbm>>) target(%arg15 : memref<40x128xf32, #tpu.memory_space<vmem>>) offsets(%dma_start3A_21 : memref<40xi32, #tpu.memory_space<vmem>>) semaphore(%arg18 : memref<!tpu.dma_semaphore, #tpu.memory_space<semaphore_mem>>)
    %dma_start3A_25 = arith.constant 1 : i32
    %dma_start3A_26 = arith.constant 0 : i32
    %dma_start3A_27 = tpu.memref_slice %arg4[%add3A, %dma_start3A_25, %dma_start3A_26] : memref<32x250x40xi32, #tpu.memory_space<hbm>> -> memref<1x1x40xi32, #tpu.memory_space<hbm>>
    %dma_start3A_28 = tpu.memref_squeeze %dma_start3A_27 : memref<1x1x40xi32, #tpu.memory_space<hbm>> -> memref<1x40xi32, #tpu.memory_space<hbm>>
    %dma_start3A_29 = arith.constant 1 : i32
    %dma_start3A_30 = arith.constant 0 : i32
    %dma_start3A_31 = tpu.memref_slice %arg4[%add3A, %dma_start3A_29, %dma_start3A_30] : memref<32x250x40xi32, #tpu.memory_space<hbm>> -> memref<1x1x40xi32, #tpu.memory_space<hbm>>
    %dma_start3A_32 = tpu.memref_squeeze %dma_start3A_31 : memref<1x1x40xi32, #tpu.memory_space<hbm>> -> memref<1x40xi32, #tpu.memory_space<hbm>>
    tpu.enqueue_dma source(%dma_start3A_32 : memref<1x40xi32, #tpu.memory_space<hbm>>) target(%arg13 : memref<1x40xi32, #tpu.memory_space<vmem>>) target_semaphore(%arg22 : memref<!tpu.dma_semaphore, #tpu.memory_space<semaphore_mem>>)
    %dma_start3A_33 = arith.constant 1 : i32
    %dma_start3A_34 = arith.constant 0 : i32
    %dma_start3A_35 = tpu.memref_slice %arg11[%dma_start3A_33, %dma_start3A_34] : memref<250x40xi32, #tpu.memory_space<vmem>> -> memref<1x40xi32, #tpu.memory_space<vmem>>
    %dma_start3A_36 = tpu.memref_squeeze %dma_start3A_35 : memref<1x40xi32, #tpu.memory_space<vmem>> -> memref<40xi32, #tpu.memory_space<vmem>>
    %dma_start3A_37 = arith.constant 0 : i32
    %dma_start3A_38 = arith.constant 0 : i32
    %dma_start3A_39 = tpu.memref_slice %arg2[%dma_start3A_37, %dma_start3A_38] : memref<10112x128xf32, #tpu.memory_space<hbm>> -> memref<10112x128xf32, #tpu.memory_space<hbm>>
    tpu.enqueue_indirect_dma source(%dma_start3A_39 : memref<10112x128xf32, #tpu.memory_space<hbm>>) target(%arg16 : memref<40x128xf32, #tpu.memory_space<vmem>>) offsets(%dma_start3A_36 : memref<40xi32, #tpu.memory_space<vmem>>) semaphore(%arg19 : memref<!tpu.dma_semaphore, #tpu.memory_space<semaphore_mem>>)
    %dma_start3A_40 = arith.constant 2 : i32
    %dma_start3A_41 = arith.constant 0 : i32
    %dma_start3A_42 = tpu.memref_slice %arg4[%add3A, %dma_start3A_40, %dma_start3A_41] : memref<32x250x40xi32, #tpu.memory_space<hbm>> -> memref<1x1x40xi32, #tpu.memory_space<hbm>>
    %dma_start3A_43 = tpu.memref_squeeze %dma_start3A_42 : memref<1x1x40xi32, #tpu.memory_space<hbm>> -> memref<1x40xi32, #tpu.memory_space<hbm>>
    %dma_start3A_44 = arith.constant 2 : i32
    %dma_start3A_45 = arith.constant 0 : i32
    %dma_start3A_46 = tpu.memref_slice %arg4[%add3A, %dma_start3A_44, %dma_start3A_45] : memref<32x250x40xi32, #tpu.memory_space<hbm>> -> memref<1x1x40xi32, #tpu.memory_space<hbm>>
    %dma_start3A_47 = tpu.memref_squeeze %dma_start3A_46 : memref<1x1x40xi32, #tpu.memory_space<hbm>> -> memref<1x40xi32, #tpu.memory_space<hbm>>
    tpu.enqueue_dma source(%dma_start3A_47 : memref<1x40xi32, #tpu.memory_space<hbm>>) target(%arg14 : memref<1x40xi32, #tpu.memory_space<vmem>>) target_semaphore(%arg23 : memref<!tpu.dma_semaphore, #tpu.memory_space<semaphore_mem>>)
    %dma_start3A_48 = arith.constant 2 : i32
    %dma_start3A_49 = arith.constant 0 : i32
    %dma_start3A_50 = tpu.memref_slice %arg11[%dma_start3A_48, %dma_start3A_49] : memref<250x40xi32, #tpu.memory_space<vmem>> -> memref<1x40xi32, #tpu.memory_space<vmem>>
    %dma_start3A_51 = tpu.memref_squeeze %dma_start3A_50 : memref<1x40xi32, #tpu.memory_space<vmem>> -> memref<40xi32, #tpu.memory_space<vmem>>
    %dma_start3A_52 = arith.constant 0 : i32
    %dma_start3A_53 = arith.constant 0 : i32
    %dma_start3A_54 = tpu.memref_slice %arg2[%dma_start3A_52, %dma_start3A_53] : memref<10112x128xf32, #tpu.memory_space<hbm>> -> memref<10112x128xf32, #tpu.memory_space<hbm>>
    tpu.enqueue_indirect_dma source(%dma_start3A_54 : memref<10112x128xf32, #tpu.memory_space<hbm>>) target(%arg17 : memref<40x128xf32, #tpu.memory_space<vmem>>) offsets(%dma_start3A_51 : memref<40xi32, #tpu.memory_space<vmem>>) semaphore(%arg20 : memref<!tpu.dma_semaphore, #tpu.memory_space<semaphore_mem>>)
    %scan3A_55 = arith.constant 0 : i32
    %scan3A_56 = arith.constant 84 : i32
    %scan3A_57 = arith.addi %scan3A_55, %scan3A_56 : i32
    %scan3A_58 = arith.constant 1 : i32
    scf.for %scan3A_103 = %scan3A_55 to %scan3A_57 step %scan3A_58  : i32 {
      %mul3A_104 = arith.constant 1 : i32
      %mul3A_105 = arith.muli %scan3A_103, %mul3A_104 : i32
      %add3A_106 = arith.constant 0 : i32
      %add3A_107 = arith.addi %add3A_106, %mul3A_105 : i32
      %mul3A_108 = arith.constant 3 : i32
      %mul3A_109 = arith.muli %add3A_107, %mul3A_108 : i32
      %add3A_110 = arith.constant 0 : i32
      %add3A_111 = arith.addi %mul3A_109, %add3A_110 : i32
      %lt3A = arith.constant 250 : i32
      %lt3A_112 = arith.cmpi slt, %add3A_111, %lt3A : i32
      %convert_element_type3A = arith.extui %lt3A_112 : i1 to i32
      %cond3A = arith.constant 0 : i32
      %cond3A_113 = arith.cmpi ne, %convert_element_type3A, %cond3A : i32
      scf.if %cond3A_113 {
        %dma_wait3A_153 = arith.constant 0 : i32
        %dma_wait3A_154 = tpu.memref_slice %arg11[%add3A_111, %dma_wait3A_153] : memref<250x40xi32, #tpu.memory_space<vmem>> -> memref<1x40xi32, #tpu.memory_space<vmem>>
        %dma_wait3A_155 = tpu.memref_squeeze %dma_wait3A_154 : memref<1x40xi32, #tpu.memory_space<vmem>> -> memref<40xi32, #tpu.memory_space<vmem>>
        %dma_wait3A_156 = arith.constant 0 : i32
        %dma_wait3A_157 = arith.constant 0 : i32
        %dma_wait3A_158 = tpu.memref_slice %arg2[%dma_wait3A_156, %dma_wait3A_157] : memref<10112x128xf32, #tpu.memory_space<hbm>> -> memref<10112x128xf32, #tpu.memory_space<hbm>>
        tpu.wait_indirect_dma semaphore(%arg18 : memref<!tpu.dma_semaphore, #tpu.memory_space<semaphore_mem>>) src(%dma_wait3A_158 : memref<10112x128xf32, #tpu.memory_space<hbm>>) dst(%arg15 : memref<40x128xf32, #tpu.memory_space<vmem>>)
        %dma_wait3A_159 = arith.constant 0 : i32
        %dma_wait3A_160 = tpu.memref_slice %arg4[%add3A, %add3A_111, %dma_wait3A_159] : memref<32x250x40xi32, #tpu.memory_space<hbm>> -> memref<1x1x40xi32, #tpu.memory_space<hbm>>
        %dma_wait3A_161 = tpu.memref_squeeze %dma_wait3A_160 : memref<1x1x40xi32, #tpu.memory_space<hbm>> -> memref<1x40xi32, #tpu.memory_space<hbm>>
        %dma_wait3A_162 = arith.constant 0 : i32
        %dma_wait3A_163 = tpu.memref_slice %arg4[%add3A, %add3A_111, %dma_wait3A_162] : memref<32x250x40xi32, #tpu.memory_space<hbm>> -> memref<1x1x40xi32, #tpu.memory_space<hbm>>
        %dma_wait3A_164 = tpu.memref_squeeze %dma_wait3A_163 : memref<1x1x40xi32, #tpu.memory_space<hbm>> -> memref<1x40xi32, #tpu.memory_space<hbm>>
        tpu.wait_dma2 semaphore(%arg21 : memref<!tpu.dma_semaphore, #tpu.memory_space<semaphore_mem>>) src(%dma_wait3A_164 : memref<1x40xi32, #tpu.memory_space<hbm>>) dst(%arg12 : memref<1x40xi32, #tpu.memory_space<vmem>>)
        %dma_start3A_165 = arith.constant 0 : i32
        %dma_start3A_166 = arith.constant 0 : i32
        %dma_start3A_167 = tpu.memref_slice %arg12[%dma_start3A_165, %dma_start3A_166] : memref<1x40xi32, #tpu.memory_space<vmem>> -> memref<1x40xi32, #tpu.memory_space<vmem>>
        %dma_start3A_168 = tpu.memref_squeeze %dma_start3A_167 : memref<1x40xi32, #tpu.memory_space<vmem>> -> memref<40xi32, #tpu.memory_space<vmem>>
        %dma_start3A_169 = arith.constant 0 : i32
        %dma_start3A_170 = arith.constant 0 : i32
        %dma_start3A_171 = tpu.memref_slice %arg10[%dma_start3A_169, %dma_start3A_170] : memref<10112x128xf32, #tpu.memory_space<vmem_shared>> -> memref<10112x128xf32, #tpu.memory_space<vmem_shared>>
        tpu.enqueue_indirect_dma source(%arg15 : memref<40x128xf32, #tpu.memory_space<vmem>>) target(%dma_start3A_171 : memref<10112x128xf32, #tpu.memory_space<vmem_shared>>) offsets(%dma_start3A_168 : memref<40xi32, #tpu.memory_space<vmem>>) semaphore(%arg24 : memref<!tpu.dma_semaphore, #tpu.memory_space<semaphore_mem>>) {add = true}
        %dma_start3A_172 = arith.constant 0 : i32
        %dma_start3A_173 = arith.constant 0 : i32
        %dma_start3A_174 = tpu.memref_slice %arg12[%dma_start3A_172, %dma_start3A_173] : memref<1x40xi32, #tpu.memory_space<vmem>> -> memref<1x40xi32, #tpu.memory_space<vmem>>
        %dma_start3A_175 = tpu.memref_squeeze %dma_start3A_174 : memref<1x40xi32, #tpu.memory_space<vmem>> -> memref<40xi32, #tpu.memory_space<vmem>>
        %dma_start3A_176 = arith.constant 0 : i32
        %dma_start3A_177 = tpu.memref_slice %arg27[%dma_start3A_176] : memref<10240xf32, #tpu.memory_space<vmem_shared>> -> memref<10240xf32, #tpu.memory_space<vmem_shared>>
        tpu.enqueue_indirect_dma source(%arg28 : memref<40xf32, #tpu.memory_space<vmem>>) target(%dma_start3A_177 : memref<10240xf32, #tpu.memory_space<vmem_shared>>) offsets(%dma_start3A_175 : memref<40xi32, #tpu.memory_space<vmem>>) semaphore(%arg29 : memref<!tpu.dma_semaphore, #tpu.memory_space<semaphore_mem>>) {add = true}
      } else {
      }
      %add3A_114 = arith.constant 3 : i32
      %add3A_115 = arith.addi %add3A_111, %add3A_114 : i32
      %lt3A_116 = arith.constant 250 : i32
      %lt3A_117 = arith.cmpi slt, %add3A_115, %lt3A_116 : i32
      %convert_element_type3A_118 = arith.extui %lt3A_117 : i1 to i32
      %cond3A_119 = arith.constant 0 : i32
      %cond3A_120 = arith.cmpi ne, %convert_element_type3A_118, %cond3A_119 : i32
      scf.if %cond3A_120 {
        %dma_wait3A_153 = arith.constant 0 : i32
        %dma_wait3A_154 = arith.constant 0 : i32
        %dma_wait3A_155 = tpu.memref_slice %arg12[%dma_wait3A_153, %dma_wait3A_154] : memref<1x40xi32, #tpu.memory_space<vmem>> -> memref<1x40xi32, #tpu.memory_space<vmem>>
        %dma_wait3A_156 = tpu.memref_squeeze %dma_wait3A_155 : memref<1x40xi32, #tpu.memory_space<vmem>> -> memref<40xi32, #tpu.memory_space<vmem>>
        %dma_wait3A_157 = arith.constant 0 : i32
        %dma_wait3A_158 = arith.constant 0 : i32
        %dma_wait3A_159 = tpu.memref_slice %arg10[%dma_wait3A_157, %dma_wait3A_158] : memref<10112x128xf32, #tpu.memory_space<vmem_shared>> -> memref<10112x128xf32, #tpu.memory_space<vmem_shared>>
        tpu.wait_indirect_dma semaphore(%arg24 : memref<!tpu.dma_semaphore, #tpu.memory_space<semaphore_mem>>) src(%arg15 : memref<40x128xf32, #tpu.memory_space<vmem>>) dst(%dma_wait3A_159 : memref<10112x128xf32, #tpu.memory_space<vmem_shared>>)
        %dma_wait3A_160 = arith.constant 0 : i32
        %dma_wait3A_161 = arith.constant 0 : i32
        %dma_wait3A_162 = tpu.memref_slice %arg12[%dma_wait3A_160, %dma_wait3A_161] : memref<1x40xi32, #tpu.memory_space<vmem>> -> memref<1x40xi32, #tpu.memory_space<vmem>>
        %dma_wait3A_163 = tpu.memref_squeeze %dma_wait3A_162 : memref<1x40xi32, #tpu.memory_space<vmem>> -> memref<40xi32, #tpu.memory_space<vmem>>
        %dma_wait3A_164 = arith.constant 0 : i32
        %dma_wait3A_165 = tpu.memref_slice %arg27[%dma_wait3A_164] : memref<10240xf32, #tpu.memory_space<vmem_shared>> -> memref<10240xf32, #tpu.memory_space<vmem_shared>>
        tpu.wait_indirect_dma semaphore(%arg29 : memref<!tpu.dma_semaphore, #tpu.memory_space<semaphore_mem>>) src(%arg28 : memref<40xf32, #tpu.memory_space<vmem>>) dst(%dma_wait3A_165 : memref<10240xf32, #tpu.memory_space<vmem_shared>>)
        %add3A_166 = arith.constant 3 : i32
        %add3A_167 = arith.addi %add3A_111, %add3A_166 : i32
        %dma_start3A_168 = arith.constant 0 : i32
        %dma_start3A_169 = tpu.memref_slice %arg4[%add3A, %add3A_167, %dma_start3A_168] : memref<32x250x40xi32, #tpu.memory_space<hbm>> -> memref<1x1x40xi32, #tpu.memory_space<hbm>>
        %dma_start3A_170 = tpu.memref_squeeze %dma_start3A_169 : memref<1x1x40xi32, #tpu.memory_space<hbm>> -> memref<1x40xi32, #tpu.memory_space<hbm>>
        %dma_start3A_171 = arith.constant 0 : i32
        %dma_start3A_172 = tpu.memref_slice %arg4[%add3A, %add3A_167, %dma_start3A_171] : memref<32x250x40xi32, #tpu.memory_space<hbm>> -> memref<1x1x40xi32, #tpu.memory_space<hbm>>
        %dma_start3A_173 = tpu.memref_squeeze %dma_start3A_172 : memref<1x1x40xi32, #tpu.memory_space<hbm>> -> memref<1x40xi32, #tpu.memory_space<hbm>>
        tpu.enqueue_dma source(%dma_start3A_173 : memref<1x40xi32, #tpu.memory_space<hbm>>) target(%arg12 : memref<1x40xi32, #tpu.memory_space<vmem>>) target_semaphore(%arg21 : memref<!tpu.dma_semaphore, #tpu.memory_space<semaphore_mem>>)
        %add3A_174 = arith.constant 3 : i32
        %add3A_175 = arith.addi %add3A_111, %add3A_174 : i32
        %dma_start3A_176 = arith.constant 0 : i32
        %dma_start3A_177 = tpu.memref_slice %arg11[%add3A_175, %dma_start3A_176] : memref<250x40xi32, #tpu.memory_space<vmem>> -> memref<1x40xi32, #tpu.memory_space<vmem>>
        %dma_start3A_178 = tpu.memref_squeeze %dma_start3A_177 : memref<1x40xi32, #tpu.memory_space<vmem>> -> memref<40xi32, #tpu.memory_space<vmem>>
        %dma_start3A_179 = arith.constant 0 : i32
        %dma_start3A_180 = arith.constant 0 : i32
        %dma_start3A_181 = tpu.memref_slice %arg2[%dma_start3A_179, %dma_start3A_180] : memref<10112x128xf32, #tpu.memory_space<hbm>> -> memref<10112x128xf32, #tpu.memory_space<hbm>>
        tpu.enqueue_indirect_dma source(%dma_start3A_181 : memref<10112x128xf32, #tpu.memory_space<hbm>>) target(%arg15 : memref<40x128xf32, #tpu.memory_space<vmem>>) offsets(%dma_start3A_178 : memref<40xi32, #tpu.memory_space<vmem>>) semaphore(%arg18 : memref<!tpu.dma_semaphore, #tpu.memory_space<semaphore_mem>>)
      } else {
      }
      %mul3A_121 = arith.constant 3 : i32
      %mul3A_122 = arith.muli %add3A_107, %mul3A_121 : i32
      %add3A_123 = arith.constant 1 : i32
      %add3A_124 = arith.addi %mul3A_122, %add3A_123 : i32
      %lt3A_125 = arith.constant 250 : i32
      %lt3A_126 = arith.cmpi slt, %add3A_124, %lt3A_125 : i32
      %convert_element_type3A_127 = arith.extui %lt3A_126 : i1 to i32
      %cond3A_128 = arith.constant 0 : i32
      %cond3A_129 = arith.cmpi ne, %convert_element_type3A_127, %cond3A_128 : i32
      scf.if %cond3A_129 {
        %dma_wait3A_153 = arith.constant 0 : i32
        %dma_wait3A_154 = tpu.memref_slice %arg11[%add3A_124, %dma_wait3A_153] : memref<250x40xi32, #tpu.memory_space<vmem>> -> memref<1x40xi32, #tpu.memory_space<vmem>>
        %dma_wait3A_155 = tpu.memref_squeeze %dma_wait3A_154 : memref<1x40xi32, #tpu.memory_space<vmem>> -> memref<40xi32, #tpu.memory_space<vmem>>
        %dma_wait3A_156 = arith.constant 0 : i32
        %dma_wait3A_157 = arith.constant 0 : i32
        %dma_wait3A_158 = tpu.memref_slice %arg2[%dma_wait3A_156, %dma_wait3A_157] : memref<10112x128xf32, #tpu.memory_space<hbm>> -> memref<10112x128xf32, #tpu.memory_space<hbm>>
        tpu.wait_indirect_dma semaphore(%arg19 : memref<!tpu.dma_semaphore, #tpu.memory_space<semaphore_mem>>) src(%dma_wait3A_158 : memref<10112x128xf32, #tpu.memory_space<hbm>>) dst(%arg16 : memref<40x128xf32, #tpu.memory_space<vmem>>)
        %dma_wait3A_159 = arith.constant 0 : i32
        %dma_wait3A_160 = tpu.memref_slice %arg4[%add3A, %add3A_124, %dma_wait3A_159] : memref<32x250x40xi32, #tpu.memory_space<hbm>> -> memref<1x1x40xi32, #tpu.memory_space<hbm>>
        %dma_wait3A_161 = tpu.memref_squeeze %dma_wait3A_160 : memref<1x1x40xi32, #tpu.memory_space<hbm>> -> memref<1x40xi32, #tpu.memory_space<hbm>>
        %dma_wait3A_162 = arith.constant 0 : i32
        %dma_wait3A_163 = tpu.memref_slice %arg4[%add3A, %add3A_124, %dma_wait3A_162] : memref<32x250x40xi32, #tpu.memory_space<hbm>> -> memref<1x1x40xi32, #tpu.memory_space<hbm>>
        %dma_wait3A_164 = tpu.memref_squeeze %dma_wait3A_163 : memref<1x1x40xi32, #tpu.memory_space<hbm>> -> memref<1x40xi32, #tpu.memory_space<hbm>>
        tpu.wait_dma2 semaphore(%arg22 : memref<!tpu.dma_semaphore, #tpu.memory_space<semaphore_mem>>) src(%dma_wait3A_164 : memref<1x40xi32, #tpu.memory_space<hbm>>) dst(%arg13 : memref<1x40xi32, #tpu.memory_space<vmem>>)
        %dma_start3A_165 = arith.constant 0 : i32
        %dma_start3A_166 = arith.constant 0 : i32
        %dma_start3A_167 = tpu.memref_slice %arg13[%dma_start3A_165, %dma_start3A_166] : memref<1x40xi32, #tpu.memory_space<vmem>> -> memref<1x40xi32, #tpu.memory_space<vmem>>
        %dma_start3A_168 = tpu.memref_squeeze %dma_start3A_167 : memref<1x40xi32, #tpu.memory_space<vmem>> -> memref<40xi32, #tpu.memory_space<vmem>>
        %dma_start3A_169 = arith.constant 0 : i32
        %dma_start3A_170 = arith.constant 0 : i32
        %dma_start3A_171 = tpu.memref_slice %arg10[%dma_start3A_169, %dma_start3A_170] : memref<10112x128xf32, #tpu.memory_space<vmem_shared>> -> memref<10112x128xf32, #tpu.memory_space<vmem_shared>>
        tpu.enqueue_indirect_dma source(%arg16 : memref<40x128xf32, #tpu.memory_space<vmem>>) target(%dma_start3A_171 : memref<10112x128xf32, #tpu.memory_space<vmem_shared>>) offsets(%dma_start3A_168 : memref<40xi32, #tpu.memory_space<vmem>>) semaphore(%arg25 : memref<!tpu.dma_semaphore, #tpu.memory_space<semaphore_mem>>) {add = true}
        %dma_start3A_172 = arith.constant 0 : i32
        %dma_start3A_173 = arith.constant 0 : i32
        %dma_start3A_174 = tpu.memref_slice %arg13[%dma_start3A_172, %dma_start3A_173] : memref<1x40xi32, #tpu.memory_space<vmem>> -> memref<1x40xi32, #tpu.memory_space<vmem>>
        %dma_start3A_175 = tpu.memref_squeeze %dma_start3A_174 : memref<1x40xi32, #tpu.memory_space<vmem>> -> memref<40xi32, #tpu.memory_space<vmem>>
        %dma_start3A_176 = arith.constant 0 : i32
        %dma_start3A_177 = tpu.memref_slice %arg27[%dma_start3A_176] : memref<10240xf32, #tpu.memory_space<vmem_shared>> -> memref<10240xf32, #tpu.memory_space<vmem_shared>>
        tpu.enqueue_indirect_dma source(%arg28 : memref<40xf32, #tpu.memory_space<vmem>>) target(%dma_start3A_177 : memref<10240xf32, #tpu.memory_space<vmem_shared>>) offsets(%dma_start3A_175 : memref<40xi32, #tpu.memory_space<vmem>>) semaphore(%arg30 : memref<!tpu.dma_semaphore, #tpu.memory_space<semaphore_mem>>) {add = true}
      } else {
      }
      %add3A_130 = arith.constant 3 : i32
      %add3A_131 = arith.addi %add3A_124, %add3A_130 : i32
      %lt3A_132 = arith.constant 250 : i32
      %lt3A_133 = arith.cmpi slt, %add3A_131, %lt3A_132 : i32
      %convert_element_type3A_134 = arith.extui %lt3A_133 : i1 to i32
      %cond3A_135 = arith.constant 0 : i32
      %cond3A_136 = arith.cmpi ne, %convert_element_type3A_134, %cond3A_135 : i32
      scf.if %cond3A_136 {
        %dma_wait3A_153 = arith.constant 0 : i32
        %dma_wait3A_154 = arith.constant 0 : i32
        %dma_wait3A_155 = tpu.memref_slice %arg13[%dma_wait3A_153, %dma_wait3A_154] : memref<1x40xi32, #tpu.memory_space<vmem>> -> memref<1x40xi32, #tpu.memory_space<vmem>>
        %dma_wait3A_156 = tpu.memref_squeeze %dma_wait3A_155 : memref<1x40xi32, #tpu.memory_space<vmem>> -> memref<40xi32, #tpu.memory_space<vmem>>
        %dma_wait3A_157 = arith.constant 0 : i32
        %dma_wait3A_158 = arith.constant 0 : i32
        %dma_wait3A_159 = tpu.memref_slice %arg10[%dma_wait3A_157, %dma_wait3A_158] : memref<10112x128xf32, #tpu.memory_space<vmem_shared>> -> memref<10112x128xf32, #tpu.memory_space<vmem_shared>>
        tpu.wait_indirect_dma semaphore(%arg25 : memref<!tpu.dma_semaphore, #tpu.memory_space<semaphore_mem>>) src(%arg16 : memref<40x128xf32, #tpu.memory_space<vmem>>) dst(%dma_wait3A_159 : memref<10112x128xf32, #tpu.memory_space<vmem_shared>>)
        %dma_wait3A_160 = arith.constant 0 : i32
        %dma_wait3A_161 = arith.constant 0 : i32
        %dma_wait3A_162 = tpu.memref_slice %arg13[%dma_wait3A_160, %dma_wait3A_161] : memref<1x40xi32, #tpu.memory_space<vmem>> -> memref<1x40xi32, #tpu.memory_space<vmem>>
        %dma_wait3A_163 = tpu.memref_squeeze %dma_wait3A_162 : memref<1x40xi32, #tpu.memory_space<vmem>> -> memref<40xi32, #tpu.memory_space<vmem>>
        %dma_wait3A_164 = arith.constant 0 : i32
        %dma_wait3A_165 = tpu.memref_slice %arg27[%dma_wait3A_164] : memref<10240xf32, #tpu.memory_space<vmem_shared>> -> memref<10240xf32, #tpu.memory_space<vmem_shared>>
        tpu.wait_indirect_dma semaphore(%arg30 : memref<!tpu.dma_semaphore, #tpu.memory_space<semaphore_mem>>) src(%arg28 : memref<40xf32, #tpu.memory_space<vmem>>) dst(%dma_wait3A_165 : memref<10240xf32, #tpu.memory_space<vmem_shared>>)
        %add3A_166 = arith.constant 3 : i32
        %add3A_167 = arith.addi %add3A_124, %add3A_166 : i32
        %dma_start3A_168 = arith.constant 0 : i32
        %dma_start3A_169 = tpu.memref_slice %arg4[%add3A, %add3A_167, %dma_start3A_168] : memref<32x250x40xi32, #tpu.memory_space<hbm>> -> memref<1x1x40xi32, #tpu.memory_space<hbm>>
        %dma_start3A_170 = tpu.memref_squeeze %dma_start3A_169 : memref<1x1x40xi32, #tpu.memory_space<hbm>> -> memref<1x40xi32, #tpu.memory_space<hbm>>
        %dma_start3A_171 = arith.constant 0 : i32
        %dma_start3A_172 = tpu.memref_slice %arg4[%add3A, %add3A_167, %dma_start3A_171] : memref<32x250x40xi32, #tpu.memory_space<hbm>> -> memref<1x1x40xi32, #tpu.memory_space<hbm>>
        %dma_start3A_173 = tpu.memref_squeeze %dma_start3A_172 : memref<1x1x40xi32, #tpu.memory_space<hbm>> -> memref<1x40xi32, #tpu.memory_space<hbm>>
        tpu.enqueue_dma source(%dma_start3A_173 : memref<1x40xi32, #tpu.memory_space<hbm>>) target(%arg13 : memref<1x40xi32, #tpu.memory_space<vmem>>) target_semaphore(%arg22 : memref<!tpu.dma_semaphore, #tpu.memory_space<semaphore_mem>>)
        %add3A_174 = arith.constant 3 : i32
        %add3A_175 = arith.addi %add3A_124, %add3A_174 : i32
        %dma_start3A_176 = arith.constant 0 : i32
        %dma_start3A_177 = tpu.memref_slice %arg11[%add3A_175, %dma_start3A_176] : memref<250x40xi32, #tpu.memory_space<vmem>> -> memref<1x40xi32, #tpu.memory_space<vmem>>
        %dma_start3A_178 = tpu.memref_squeeze %dma_start3A_177 : memref<1x40xi32, #tpu.memory_space<vmem>> -> memref<40xi32, #tpu.memory_space<vmem>>
        %dma_start3A_179 = arith.constant 0 : i32
        %dma_start3A_180 = arith.constant 0 : i32
        %dma_start3A_181 = tpu.memref_slice %arg2[%dma_start3A_179, %dma_start3A_180] : memref<10112x128xf32, #tpu.memory_space<hbm>> -> memref<10112x128xf32, #tpu.memory_space<hbm>>
        tpu.enqueue_indirect_dma source(%dma_start3A_181 : memref<10112x128xf32, #tpu.memory_space<hbm>>) target(%arg16 : memref<40x128xf32, #tpu.memory_space<vmem>>) offsets(%dma_start3A_178 : memref<40xi32, #tpu.memory_space<vmem>>) semaphore(%arg19 : memref<!tpu.dma_semaphore, #tpu.memory_space<semaphore_mem>>)
      } else {
      }
      %mul3A_137 = arith.constant 3 : i32
      %mul3A_138 = arith.muli %add3A_107, %mul3A_137 : i32
      %add3A_139 = arith.constant 2 : i32
      %add3A_140 = arith.addi %mul3A_138, %add3A_139 : i32
      %lt3A_141 = arith.constant 250 : i32
      %lt3A_142 = arith.cmpi slt, %add3A_140, %lt3A_141 : i32
      %convert_element_type3A_143 = arith.extui %lt3A_142 : i1 to i32
      %cond3A_144 = arith.constant 0 : i32
      %cond3A_145 = arith.cmpi ne, %convert_element_type3A_143, %cond3A_144 : i32
      scf.if %cond3A_145 {
        %dma_wait3A_153 = arith.constant 0 : i32
        %dma_wait3A_154 = tpu.memref_slice %arg11[%add3A_140, %dma_wait3A_153] : memref<250x40xi32, #tpu.memory_space<vmem>> -> memref<1x40xi32, #tpu.memory_space<vmem>>
        %dma_wait3A_155 = tpu.memref_squeeze %dma_wait3A_154 : memref<1x40xi32, #tpu.memory_space<vmem>> -> memref<40xi32, #tpu.memory_space<vmem>>
        %dma_wait3A_156 = arith.constant 0 : i32
        %dma_wait3A_157 = arith.constant 0 : i32
        %dma_wait3A_158 = tpu.memref_slice %arg2[%dma_wait3A_156, %dma_wait3A_157] : memref<10112x128xf32, #tpu.memory_space<hbm>> -> memref<10112x128xf32, #tpu.memory_space<hbm>>
        tpu.wait_indirect_dma semaphore(%arg20 : memref<!tpu.dma_semaphore, #tpu.memory_space<semaphore_mem>>) src(%dma_wait3A_158 : memref<10112x128xf32, #tpu.memory_space<hbm>>) dst(%arg17 : memref<40x128xf32, #tpu.memory_space<vmem>>)
        %dma_wait3A_159 = arith.constant 0 : i32
        %dma_wait3A_160 = tpu.memref_slice %arg4[%add3A, %add3A_140, %dma_wait3A_159] : memref<32x250x40xi32, #tpu.memory_space<hbm>> -> memref<1x1x40xi32, #tpu.memory_space<hbm>>
        %dma_wait3A_161 = tpu.memref_squeeze %dma_wait3A_160 : memref<1x1x40xi32, #tpu.memory_space<hbm>> -> memref<1x40xi32, #tpu.memory_space<hbm>>
        %dma_wait3A_162 = arith.constant 0 : i32
        %dma_wait3A_163 = tpu.memref_slice %arg4[%add3A, %add3A_140, %dma_wait3A_162] : memref<32x250x40xi32, #tpu.memory_space<hbm>> -> memref<1x1x40xi32, #tpu.memory_space<hbm>>
        %dma_wait3A_164 = tpu.memref_squeeze %dma_wait3A_163 : memref<1x1x40xi32, #tpu.memory_space<hbm>> -> memref<1x40xi32, #tpu.memory_space<hbm>>
        tpu.wait_dma2 semaphore(%arg23 : memref<!tpu.dma_semaphore, #tpu.memory_space<semaphore_mem>>) src(%dma_wait3A_164 : memref<1x40xi32, #tpu.memory_space<hbm>>) dst(%arg14 : memref<1x40xi32, #tpu.memory_space<vmem>>)
        %dma_start3A_165 = arith.constant 0 : i32
        %dma_start3A_166 = arith.constant 0 : i32
        %dma_start3A_167 = tpu.memref_slice %arg14[%dma_start3A_165, %dma_start3A_166] : memref<1x40xi32, #tpu.memory_space<vmem>> -> memref<1x40xi32, #tpu.memory_space<vmem>>
        %dma_start3A_168 = tpu.memref_squeeze %dma_start3A_167 : memref<1x40xi32, #tpu.memory_space<vmem>> -> memref<40xi32, #tpu.memory_space<vmem>>
        %dma_start3A_169 = arith.constant 0 : i32
        %dma_start3A_170 = arith.constant 0 : i32
        %dma_start3A_171 = tpu.memref_slice %arg10[%dma_start3A_169, %dma_start3A_170] : memref<10112x128xf32, #tpu.memory_space<vmem_shared>> -> memref<10112x128xf32, #tpu.memory_space<vmem_shared>>
        tpu.enqueue_indirect_dma source(%arg17 : memref<40x128xf32, #tpu.memory_space<vmem>>) target(%dma_start3A_171 : memref<10112x128xf32, #tpu.memory_space<vmem_shared>>) offsets(%dma_start3A_168 : memref<40xi32, #tpu.memory_space<vmem>>) semaphore(%arg26 : memref<!tpu.dma_semaphore, #tpu.memory_space<semaphore_mem>>) {add = true}
        %dma_start3A_172 = arith.constant 0 : i32
        %dma_start3A_173 = arith.constant 0 : i32
        %dma_start3A_174 = tpu.memref_slice %arg14[%dma_start3A_172, %dma_start3A_173] : memref<1x40xi32, #tpu.memory_space<vmem>> -> memref<1x40xi32, #tpu.memory_space<vmem>>
        %dma_start3A_175 = tpu.memref_squeeze %dma_start3A_174 : memref<1x40xi32, #tpu.memory_space<vmem>> -> memref<40xi32, #tpu.memory_space<vmem>>
        %dma_start3A_176 = arith.constant 0 : i32
        %dma_start3A_177 = tpu.memref_slice %arg27[%dma_start3A_176] : memref<10240xf32, #tpu.memory_space<vmem_shared>> -> memref<10240xf32, #tpu.memory_space<vmem_shared>>
        tpu.enqueue_indirect_dma source(%arg28 : memref<40xf32, #tpu.memory_space<vmem>>) target(%dma_start3A_177 : memref<10240xf32, #tpu.memory_space<vmem_shared>>) offsets(%dma_start3A_175 : memref<40xi32, #tpu.memory_space<vmem>>) semaphore(%arg31 : memref<!tpu.dma_semaphore, #tpu.memory_space<semaphore_mem>>) {add = true}
      } else {
      }
      %add3A_146 = arith.constant 3 : i32
      %add3A_147 = arith.addi %add3A_140, %add3A_146 : i32
      %lt3A_148 = arith.constant 250 : i32
      %lt3A_149 = arith.cmpi slt, %add3A_147, %lt3A_148 : i32
      %convert_element_type3A_150 = arith.extui %lt3A_149 : i1 to i32
      %cond3A_151 = arith.constant 0 : i32
      %cond3A_152 = arith.cmpi ne, %convert_element_type3A_150, %cond3A_151 : i32
      scf.if %cond3A_152 {
        %dma_wait3A_153 = arith.constant 0 : i32
        %dma_wait3A_154 = arith.constant 0 : i32
        %dma_wait3A_155 = tpu.memref_slice %arg14[%dma_wait3A_153, %dma_wait3A_154] : memref<1x40xi32, #tpu.memory_space<vmem>> -> memref<1x40xi32, #tpu.memory_space<vmem>>
        %dma_wait3A_156 = tpu.memref_squeeze %dma_wait3A_155 : memref<1x40xi32, #tpu.memory_space<vmem>> -> memref<40xi32, #tpu.memory_space<vmem>>
        %dma_wait3A_157 = arith.constant 0 : i32
        %dma_wait3A_158 = arith.constant 0 : i32
        %dma_wait3A_159 = tpu.memref_slice %arg10[%dma_wait3A_157, %dma_wait3A_158] : memref<10112x128xf32, #tpu.memory_space<vmem_shared>> -> memref<10112x128xf32, #tpu.memory_space<vmem_shared>>
        tpu.wait_indirect_dma semaphore(%arg26 : memref<!tpu.dma_semaphore, #tpu.memory_space<semaphore_mem>>) src(%arg17 : memref<40x128xf32, #tpu.memory_space<vmem>>) dst(%dma_wait3A_159 : memref<10112x128xf32, #tpu.memory_space<vmem_shared>>)
        %dma_wait3A_160 = arith.constant 0 : i32
        %dma_wait3A_161 = arith.constant 0 : i32
        %dma_wait3A_162 = tpu.memref_slice %arg14[%dma_wait3A_160, %dma_wait3A_161] : memref<1x40xi32, #tpu.memory_space<vmem>> -> memref<1x40xi32, #tpu.memory_space<vmem>>
        %dma_wait3A_163 = tpu.memref_squeeze %dma_wait3A_162 : memref<1x40xi32, #tpu.memory_space<vmem>> -> memref<40xi32, #tpu.memory_space<vmem>>
        %dma_wait3A_164 = arith.constant 0 : i32
        %dma_wait3A_165 = tpu.memref_slice %arg27[%dma_wait3A_164] : memref<10240xf32, #tpu.memory_space<vmem_shared>> -> memref<10240xf32, #tpu.memory_space<vmem_shared>>
        tpu.wait_indirect_dma semaphore(%arg31 : memref<!tpu.dma_semaphore, #tpu.memory_space<semaphore_mem>>) src(%arg28 : memref<40xf32, #tpu.memory_space<vmem>>) dst(%dma_wait3A_165 : memref<10240xf32, #tpu.memory_space<vmem_shared>>)
        %add3A_166 = arith.constant 3 : i32
        %add3A_167 = arith.addi %add3A_140, %add3A_166 : i32
        %dma_start3A_168 = arith.constant 0 : i32
        %dma_start3A_169 = tpu.memref_slice %arg4[%add3A, %add3A_167, %dma_start3A_168] : memref<32x250x40xi32, #tpu.memory_space<hbm>> -> memref<1x1x40xi32, #tpu.memory_space<hbm>>
        %dma_start3A_170 = tpu.memref_squeeze %dma_start3A_169 : memref<1x1x40xi32, #tpu.memory_space<hbm>> -> memref<1x40xi32, #tpu.memory_space<hbm>>
        %dma_start3A_171 = arith.constant 0 : i32
        %dma_start3A_172 = tpu.memref_slice %arg4[%add3A, %add3A_167, %dma_start3A_171] : memref<32x250x40xi32, #tpu.memory_space<hbm>> -> memref<1x1x40xi32, #tpu.memory_space<hbm>>
        %dma_start3A_173 = tpu.memref_squeeze %dma_start3A_172 : memref<1x1x40xi32, #tpu.memory_space<hbm>> -> memref<1x40xi32, #tpu.memory_space<hbm>>
        tpu.enqueue_dma source(%dma_start3A_173 : memref<1x40xi32, #tpu.memory_space<hbm>>) target(%arg14 : memref<1x40xi32, #tpu.memory_space<vmem>>) target_semaphore(%arg23 : memref<!tpu.dma_semaphore, #tpu.memory_space<semaphore_mem>>)
        %add3A_174 = arith.constant 3 : i32
        %add3A_175 = arith.addi %add3A_140, %add3A_174 : i32
        %dma_start3A_176 = arith.constant 0 : i32
        %dma_start3A_177 = tpu.memref_slice %arg11[%add3A_175, %dma_start3A_176] : memref<250x40xi32, #tpu.memory_space<vmem>> -> memref<1x40xi32, #tpu.memory_space<vmem>>
        %dma_start3A_178 = tpu.memref_squeeze %dma_start3A_177 : memref<1x40xi32, #tpu.memory_space<vmem>> -> memref<40xi32, #tpu.memory_space<vmem>>
        %dma_start3A_179 = arith.constant 0 : i32
        %dma_start3A_180 = arith.constant 0 : i32
        %dma_start3A_181 = tpu.memref_slice %arg2[%dma_start3A_179, %dma_start3A_180] : memref<10112x128xf32, #tpu.memory_space<hbm>> -> memref<10112x128xf32, #tpu.memory_space<hbm>>
        tpu.enqueue_indirect_dma source(%dma_start3A_181 : memref<10112x128xf32, #tpu.memory_space<hbm>>) target(%arg17 : memref<40x128xf32, #tpu.memory_space<vmem>>) offsets(%dma_start3A_178 : memref<40xi32, #tpu.memory_space<vmem>>) semaphore(%arg20 : memref<!tpu.dma_semaphore, #tpu.memory_space<semaphore_mem>>)
      } else {
      }
    }
    %scan3A_59 = arith.constant 84 : i32
    %dma_wait3A = arith.constant 0 : i32
    %dma_wait3A_60 = arith.constant 0 : i32
    %dma_wait3A_61 = tpu.memref_slice %arg12[%dma_wait3A, %dma_wait3A_60] : memref<1x40xi32, #tpu.memory_space<vmem>> -> memref<1x40xi32, #tpu.memory_space<vmem>>
    %dma_wait3A_62 = tpu.memref_squeeze %dma_wait3A_61 : memref<1x40xi32, #tpu.memory_space<vmem>> -> memref<40xi32, #tpu.memory_space<vmem>>
    %dma_wait3A_63 = arith.constant 0 : i32
    %dma_wait3A_64 = arith.constant 0 : i32
    %dma_wait3A_65 = tpu.memref_slice %arg10[%dma_wait3A_63, %dma_wait3A_64] : memref<10112x128xf32, #tpu.memory_space<vmem_shared>> -> memref<10112x128xf32, #tpu.memory_space<vmem_shared>>
    tpu.wait_indirect_dma semaphore(%arg24 : memref<!tpu.dma_semaphore, #tpu.memory_space<semaphore_mem>>) src(%arg15 : memref<40x128xf32, #tpu.memory_space<vmem>>) dst(%dma_wait3A_65 : memref<10112x128xf32, #tpu.memory_space<vmem_shared>>)
    %dma_wait3A_66 = arith.constant 0 : i32
    %dma_wait3A_67 = arith.constant 0 : i32
    %dma_wait3A_68 = tpu.memref_slice %arg12[%dma_wait3A_66, %dma_wait3A_67] : memref<1x40xi32, #tpu.memory_space<vmem>> -> memref<1x40xi32, #tpu.memory_space<vmem>>
    %dma_wait3A_69 = tpu.memref_squeeze %dma_wait3A_68 : memref<1x40xi32, #tpu.memory_space<vmem>> -> memref<40xi32, #tpu.memory_space<vmem>>
    %dma_wait3A_70 = arith.constant 0 : i32
    %dma_wait3A_71 = tpu.memref_slice %arg27[%dma_wait3A_70] : memref<10240xf32, #tpu.memory_space<vmem_shared>> -> memref<10240xf32, #tpu.memory_space<vmem_shared>>
    tpu.wait_indirect_dma semaphore(%arg29 : memref<!tpu.dma_semaphore, #tpu.memory_space<semaphore_mem>>) src(%arg28 : memref<40xf32, #tpu.memory_space<vmem>>) dst(%dma_wait3A_71 : memref<10240xf32, #tpu.memory_space<vmem_shared>>)
    %dma_wait3A_72 = arith.constant 0 : i32
    %dma_wait3A_73 = arith.constant 0 : i32
    %dma_wait3A_74 = tpu.memref_slice %arg13[%dma_wait3A_72, %dma_wait3A_73] : memref<1x40xi32, #tpu.memory_space<vmem>> -> memref<1x40xi32, #tpu.memory_space<vmem>>
    %dma_wait3A_75 = tpu.memref_squeeze %dma_wait3A_74 : memref<1x40xi32, #tpu.memory_space<vmem>> -> memref<40xi32, #tpu.memory_space<vmem>>
    %dma_wait3A_76 = arith.constant 0 : i32
    %dma_wait3A_77 = arith.constant 0 : i32
    %dma_wait3A_78 = tpu.memref_slice %arg10[%dma_wait3A_76, %dma_wait3A_77] : memref<10112x128xf32, #tpu.memory_space<vmem_shared>> -> memref<10112x128xf32, #tpu.memory_space<vmem_shared>>
    tpu.wait_indirect_dma semaphore(%arg25 : memref<!tpu.dma_semaphore, #tpu.memory_space<semaphore_mem>>) src(%arg16 : memref<40x128xf32, #tpu.memory_space<vmem>>) dst(%dma_wait3A_78 : memref<10112x128xf32, #tpu.memory_space<vmem_shared>>)
    %dma_wait3A_79 = arith.constant 0 : i32
    %dma_wait3A_80 = arith.constant 0 : i32
    %dma_wait3A_81 = tpu.memref_slice %arg13[%dma_wait3A_79, %dma_wait3A_80] : memref<1x40xi32, #tpu.memory_space<vmem>> -> memref<1x40xi32, #tpu.memory_space<vmem>>
    %dma_wait3A_82 = tpu.memref_squeeze %dma_wait3A_81 : memref<1x40xi32, #tpu.memory_space<vmem>> -> memref<40xi32, #tpu.memory_space<vmem>>
    %dma_wait3A_83 = arith.constant 0 : i32
    %dma_wait3A_84 = tpu.memref_slice %arg27[%dma_wait3A_83] : memref<10240xf32, #tpu.memory_space<vmem_shared>> -> memref<10240xf32, #tpu.memory_space<vmem_shared>>
    tpu.wait_indirect_dma semaphore(%arg30 : memref<!tpu.dma_semaphore, #tpu.memory_space<semaphore_mem>>) src(%arg28 : memref<40xf32, #tpu.memory_space<vmem>>) dst(%dma_wait3A_84 : memref<10240xf32, #tpu.memory_space<vmem_shared>>)
    %dma_wait3A_85 = arith.constant 0 : i32
    %dma_wait3A_86 = arith.constant 0 : i32
    %dma_wait3A_87 = tpu.memref_slice %arg14[%dma_wait3A_85, %dma_wait3A_86] : memref<1x40xi32, #tpu.memory_space<vmem>> -> memref<1x40xi32, #tpu.memory_space<vmem>>
    %dma_wait3A_88 = tpu.memref_squeeze %dma_wait3A_87 : memref<1x40xi32, #tpu.memory_space<vmem>> -> memref<40xi32, #tpu.memory_space<vmem>>
    %dma_wait3A_89 = arith.constant 0 : i32
    %dma_wait3A_90 = arith.constant 0 : i32
    %dma_wait3A_91 = tpu.memref_slice %arg10[%dma_wait3A_89, %dma_wait3A_90] : memref<10112x128xf32, #tpu.memory_space<vmem_shared>> -> memref<10112x128xf32, #tpu.memory_space<vmem_shared>>
    tpu.wait_indirect_dma semaphore(%arg26 : memref<!tpu.dma_semaphore, #tpu.memory_space<semaphore_mem>>) src(%arg17 : memref<40x128xf32, #tpu.memory_space<vmem>>) dst(%dma_wait3A_91 : memref<10112x128xf32, #tpu.memory_space<vmem_shared>>)
    %dma_wait3A_92 = arith.constant 0 : i32
    %dma_wait3A_93 = arith.constant 0 : i32
    %dma_wait3A_94 = tpu.memref_slice %arg14[%dma_wait3A_92, %dma_wait3A_93] : memref<1x40xi32, #tpu.memory_space<vmem>> -> memref<1x40xi32, #tpu.memory_space<vmem>>
    %dma_wait3A_95 = tpu.memref_squeeze %dma_wait3A_94 : memref<1x40xi32, #tpu.memory_space<vmem>> -> memref<40xi32, #tpu.memory_space<vmem>>
    %dma_wait3A_96 = arith.constant 0 : i32
    %dma_wait3A_97 = tpu.memref_slice %arg27[%dma_wait3A_96] : memref<10240xf32, #tpu.memory_space<vmem_shared>> -> memref<10240xf32, #tpu.memory_space<vmem_shared>>
    tpu.wait_indirect_dma semaphore(%arg31 : memref<!tpu.dma_semaphore, #tpu.memory_space<semaphore_mem>>) src(%arg28 : memref<40xf32, #tpu.memory_space<vmem>>) dst(%dma_wait3A_97 : memref<10240xf32, #tpu.memory_space<vmem_shared>>)
    %barrier3A_98 = arith.constant 0 : index
    tpu.barrier barrier_id(%barrier3A_98)
    "tpu.region"() ({
      %run_scoped3A = tpu.sem_alloc : memref<!tpu.dma_semaphore, #tpu.memory_space<semaphore_mem>>
      %dma_start3A_103 = arith.constant 0 : i32
      %dma_start3A_104 = tpu.memref_slice %arg8[%arg0, %mul3A_2, %dma_start3A_103] : memref<2x10112x128xf32, #tpu.memory_space<hbm>> -> memref<1x632x128xf32, #tpu.memory_space<hbm>>
      %dma_start3A_105 = tpu.memref_squeeze %dma_start3A_104 : memref<1x632x128xf32, #tpu.memory_space<hbm>> -> memref<632x128xf32, #tpu.memory_space<hbm>>
      %dma_start3A_106 = arith.constant 0 : i32
      %dma_start3A_107 = tpu.memref_slice %arg10[%mul3A_2, %dma_start3A_106] : memref<10112x128xf32, #tpu.memory_space<vmem_shared>> -> memref<632x128xf32, #tpu.memory_space<vmem_shared>>
      tpu.enqueue_dma source(%dma_start3A_107 : memref<632x128xf32, #tpu.memory_space<vmem_shared>>) target(%dma_start3A_105 : memref<632x128xf32, #tpu.memory_space<hbm>>) target_semaphore(%run_scoped3A : memref<!tpu.dma_semaphore, #tpu.memory_space<semaphore_mem>>)
      %dma_wait3A_108 = arith.constant 0 : i32
      %dma_wait3A_109 = tpu.memref_slice %arg8[%arg0, %mul3A_2, %dma_wait3A_108] : memref<2x10112x128xf32, #tpu.memory_space<hbm>> -> memref<1x632x128xf32, #tpu.memory_space<hbm>>
      %dma_wait3A_110 = tpu.memref_squeeze %dma_wait3A_109 : memref<1x632x128xf32, #tpu.memory_space<hbm>> -> memref<632x128xf32, #tpu.memory_space<hbm>>
      %dma_wait3A_111 = arith.constant 0 : i32
      %dma_wait3A_112 = tpu.memref_slice %arg10[%mul3A_2, %dma_wait3A_111] : memref<10112x128xf32, #tpu.memory_space<vmem_shared>> -> memref<632x128xf32, #tpu.memory_space<vmem_shared>>
      tpu.wait_dma2 semaphore(%run_scoped3A : memref<!tpu.dma_semaphore, #tpu.memory_space<semaphore_mem>>) src(%dma_wait3A_112 : memref<632x128xf32, #tpu.memory_space<vmem_shared>>) dst(%dma_wait3A_110 : memref<632x128xf32, #tpu.memory_space<hbm>>)
      tpu.yield
    }) : () -> ()
    %mul3A_99 = arith.constant 640 : i32
    %mul3A_100 = arith.muli %arg1, %mul3A_99 : i32
    %mul3A_101 = arith.constant 640 : i32
    %mul3A_102 = arith.muli %arg1, %mul3A_101 : i32
    "tpu.region"() ({
      %run_scoped3A = tpu.sem_alloc : memref<!tpu.dma_semaphore, #tpu.memory_space<semaphore_mem>>
      %dma_start3A_103 = tpu.memref_slice %arg9[%arg0, %mul3A_102] : memref<2x10240xf32, #tpu.memory_space<hbm>> -> memref<1x640xf32, #tpu.memory_space<hbm>>
      %dma_start3A_104 = tpu.memref_squeeze %dma_start3A_103 : memref<1x640xf32, #tpu.memory_space<hbm>> -> memref<640xf32, #tpu.memory_space<hbm>>
      %dma_start3A_105 = tpu.memref_slice %arg27[%mul3A_100] : memref<10240xf32, #tpu.memory_space<vmem_shared>> -> memref<640xf32, #tpu.memory_space<vmem_shared>>
      tpu.enqueue_dma source(%dma_start3A_105 : memref<640xf32, #tpu.memory_space<vmem_shared>>) target(%dma_start3A_104 : memref<640xf32, #tpu.memory_space<hbm>>) target_semaphore(%run_scoped3A : memref<!tpu.dma_semaphore, #tpu.memory_space<semaphore_mem>>)
      %dma_wait3A_106 = tpu.memref_slice %arg9[%arg0, %mul3A_102] : memref<2x10240xf32, #tpu.memory_space<hbm>> -> memref<1x640xf32, #tpu.memory_space<hbm>>
      %dma_wait3A_107 = tpu.memref_squeeze %dma_wait3A_106 : memref<1x640xf32, #tpu.memory_space<hbm>> -> memref<640xf32, #tpu.memory_space<hbm>>
      %dma_wait3A_108 = tpu.memref_slice %arg27[%mul3A_100] : memref<10240xf32, #tpu.memory_space<vmem_shared>> -> memref<640xf32, #tpu.memory_space<vmem_shared>>
      tpu.wait_dma2 semaphore(%run_scoped3A : memref<!tpu.dma_semaphore, #tpu.memory_space<semaphore_mem>>) src(%dma_wait3A_108 : memref<640xf32, #tpu.memory_space<vmem_shared>>) dst(%dma_wait3A_107 : memref<640xf32, #tpu.memory_space<hbm>>)
      tpu.yield
    }) : () -> ()
    return
  }
}

module attributes {stable_mosaic.version = 14 : i64} {
  func.func @_dense_body(%arg0: i32, %arg1: memref<1x1264x128xf32, #tpu.memory_space<vmem>>, %arg2: memref<1x1264x128xf32, #tpu.memory_space<vmem>>, %arg3: memref<1x1264x1xf32, #tpu.memory_space<vmem>>, %arg4: memref<1x1264x1xf32, #tpu.memory_space<vmem>>, %arg5: memref<1264x128xf32, #tpu.memory_space<vmem>>, %arg6: memref<128x128xf32, #tpu.memory_space<vmem>>, %arg7: memref<1x128xf32, #tpu.memory_space<vmem>>, %arg8: memref<128x128xf32, #tpu.memory_space<vmem>>, %arg9: memref<1264x128xf32, #tpu.memory_space<vmem>>) attributes {dimension_semantics = [#tpu.dimension_semantics<arbitrary>], iteration_bounds = array<i64: 8>, scalar_prefetch = 0 : i64, scratch_operands = 0 : i64, tpu.core_type = #tpu.core_type<tc>, window_params = [{transform_indices = @transform_0, window_bounds = array<i64: 1, 1264, 128>}, {transform_indices = @transform_1, window_bounds = array<i64: 1, 1264, 128>}, {transform_indices = @transform_2, window_bounds = array<i64: 1, 1264, 1>}, {transform_indices = @transform_3, window_bounds = array<i64: 1, 1264, 1>}, {transform_indices = @transform_4, window_bounds = array<i64: 1264, 128>}, {pipeline_mode = #tpu.pipeline_mode<synchronous>, transform_indices = @transform_5, window_bounds = array<i64: 128, 128>}, {pipeline_mode = #tpu.pipeline_mode<synchronous>, transform_indices = @transform_6, window_bounds = array<i64: 1, 128>}, {pipeline_mode = #tpu.pipeline_mode<synchronous>, transform_indices = @transform_7, window_bounds = array<i64: 128, 128>}, {transform_indices = @transform_8, window_bounds = array<i64: 1264, 128>}]} {
    %get3A = arith.constant 0 : index
    %get3A_0 = arith.constant 0 : index
    %get3A_1 = arith.constant 0 : index
    %get3A_2 = vector.load %arg3[%get3A, %get3A_0, %get3A_1] : memref<1x1264x1xf32, #tpu.memory_space<vmem>>, vector<1x1264x1xf32>
    %get3A_3 = vector.shape_cast %get3A_2 : vector<1x1264x1xf32> to vector<1264x1xf32>
    %get3A_4 = arith.constant 0 : index
    %get3A_5 = arith.constant 0 : index
    %get3A_6 = arith.constant 0 : index
    %get3A_7 = vector.load %arg4[%get3A_4, %get3A_5, %get3A_6] : memref<1x1264x1xf32, #tpu.memory_space<vmem>>, vector<1x1264x1xf32>
    %get3A_8 = vector.shape_cast %get3A_7 : vector<1x1264x1xf32> to vector<1264x1xf32>
    %add3A = arith.addf %get3A_3, %get3A_8 : vector<1264x1xf32>
    %max3A = arith.constant 1.000000e+00 : f32
    %max3A_9 = vector.broadcast %max3A : f32 to vector<1264x1xf32>
    %max3A_10 = arith.maximumf %add3A, %max3A_9 : vector<1264x1xf32>
    %get3A_11 = arith.constant 0 : index
    %get3A_12 = arith.constant 0 : index
    %get3A_13 = arith.constant 0 : index
    %get3A_14 = vector.load %arg1[%get3A_11, %get3A_12, %get3A_13] : memref<1x1264x128xf32, #tpu.memory_space<vmem>>, vector<1x1264x128xf32>
    %get3A_15 = vector.shape_cast %get3A_14 : vector<1x1264x128xf32> to vector<1264x128xf32>
    %get3A_16 = arith.constant 0 : index
    %get3A_17 = arith.constant 0 : index
    %get3A_18 = arith.constant 0 : index
    %get3A_19 = vector.load %arg2[%get3A_16, %get3A_17, %get3A_18] : memref<1x1264x128xf32, #tpu.memory_space<vmem>>, vector<1x1264x128xf32>
    %get3A_20 = vector.shape_cast %get3A_19 : vector<1x1264x128xf32> to vector<1264x128xf32>
    %add3A_21 = arith.addf %get3A_15, %get3A_20 : vector<1264x128xf32>
    %div3A = vector.broadcast %max3A_10 : vector<1264x1xf32> to vector<1264x128xf32>
    %div3A_22 = arith.divf %add3A_21, %div3A : vector<1264x128xf32>
    %get3A_23 = arith.constant 0 : index
    %get3A_24 = arith.constant 0 : index
    %get3A_25 = vector.load %arg6[%get3A_23, %get3A_24] : memref<128x128xf32, #tpu.memory_space<vmem>>, vector<128x128xf32>
    %dot_general3A = arith.constant dense<0.000000e+00> : vector<1264x128xf32>
    %dot_general3A_26 = tpu.matmul %div3A_22, %get3A_25, %dot_general3A {dimension_numbers = #tpu.dot_dimension_numbers<[1], [1], [0], [0], [0, 0, 1, 0], [], []>, transpose_lhs_hint = false} : vector<1264x128xf32>, vector<128x128xf32>, vector<1264x128xf32> -> vector<1264x128xf32>
    %get3A_27 = arith.constant 0 : index
    %get3A_28 = arith.constant 0 : index
    %get3A_29 = vector.load %arg7[%get3A_27, %get3A_28] : memref<1x128xf32, #tpu.memory_space<vmem>>, vector<1x128xf32>
    %add3A_30 = vector.broadcast %get3A_29 : vector<1x128xf32> to vector<1264x128xf32>
    %add3A_31 = arith.addf %dot_general3A_26, %add3A_30 : vector<1264x128xf32>
    %get3A_32 = arith.constant 0 : index
    %get3A_33 = arith.constant 0 : index
    %get3A_34 = vector.load %arg5[%get3A_32, %get3A_33] : memref<1264x128xf32, #tpu.memory_space<vmem>>, vector<1264x128xf32>
    %get3A_35 = arith.constant 0 : index
    %get3A_36 = arith.constant 0 : index
    %get3A_37 = vector.load %arg8[%get3A_35, %get3A_36] : memref<128x128xf32, #tpu.memory_space<vmem>>, vector<128x128xf32>
    %dot_general3A_38 = arith.constant dense<0.000000e+00> : vector<1264x128xf32>
    %dot_general3A_39 = tpu.matmul %get3A_34, %get3A_37, %dot_general3A_38 {dimension_numbers = #tpu.dot_dimension_numbers<[1], [1], [0], [0], [0, 0, 1, 0], [], []>, transpose_lhs_hint = false} : vector<1264x128xf32>, vector<128x128xf32>, vector<1264x128xf32> -> vector<1264x128xf32>
    %add3A_40 = arith.addf %add3A_31, %dot_general3A_39 : vector<1264x128xf32>
    %max3A_41 = arith.constant 0.000000e+00 : f32
    %max3A_42 = vector.broadcast %max3A_41 : f32 to vector<1264x128xf32>
    %max3A_43 = arith.maximumf %add3A_40, %max3A_42 : vector<1264x128xf32>
    %swap3A = arith.constant 0 : index
    %swap3A_44 = arith.constant 0 : index
    %swap3A_45 = vector.load %arg9[%swap3A, %swap3A_44] : memref<1264x128xf32, #tpu.memory_space<vmem>>, vector<1264x128xf32>
    tpu.vector_store %arg9[%swap3A, %swap3A_44], %max3A_43 {strides = array<i32>} : memref<1264x128xf32, #tpu.memory_space<vmem>>, vector<1264x128xf32>,
    return
  }
  func.func @transform_0(%arg0: i32) -> (i32, i32, i32) {
    %c0_i32 = arith.constant 0 : i32
    %c0_i32_0 = arith.constant 0 : i32
    %c0_i32_1 = arith.constant 0 : i32
    return %c0_i32, %arg0, %c0_i32_0 : i32, i32, i32
  }
  func.func @transform_1(%arg0: i32) -> (i32, i32, i32) {
    %c1_i32 = arith.constant 1 : i32
    %c0_i32 = arith.constant 0 : i32
    %c0_i32_0 = arith.constant 0 : i32
    return %c1_i32, %arg0, %c0_i32 : i32, i32, i32
  }
  func.func @transform_2(%arg0: i32) -> (i32, i32, i32) {
    %c0_i32 = arith.constant 0 : i32
    %c0_i32_0 = arith.constant 0 : i32
    %c0_i32_1 = arith.constant 0 : i32
    return %c0_i32, %arg0, %c0_i32_0 : i32, i32, i32
  }
  func.func @transform_3(%arg0: i32) -> (i32, i32, i32) {
    %c1_i32 = arith.constant 1 : i32
    %c0_i32 = arith.constant 0 : i32
    %c0_i32_0 = arith.constant 0 : i32
    return %c1_i32, %arg0, %c0_i32 : i32, i32, i32
  }
  func.func @transform_4(%arg0: i32) -> (i32, i32) {
    %c0_i32 = arith.constant 0 : i32
    %c0_i32_0 = arith.constant 0 : i32
    return %arg0, %c0_i32 : i32, i32
  }
  func.func @transform_5(%arg0: i32) -> (i32, i32) {
    %c0_i32 = arith.constant 0 : i32
    %c0_i32_0 = arith.constant 0 : i32
    %c0_i32_1 = arith.constant 0 : i32
    return %c0_i32, %c0_i32_0 : i32, i32
  }
  func.func @transform_6(%arg0: i32) -> (i32, i32) {
    %c0_i32 = arith.constant 0 : i32
    %c0_i32_0 = arith.constant 0 : i32
    %c0_i32_1 = arith.constant 0 : i32
    return %c0_i32, %c0_i32_0 : i32, i32
  }
  func.func @transform_7(%arg0: i32) -> (i32, i32) {
    %c0_i32 = arith.constant 0 : i32
    %c0_i32_0 = arith.constant 0 : i32
    %c0_i32_1 = arith.constant 0 : i32
    return %c0_i32, %c0_i32_0 : i32, i32
  }
  func.func @transform_8(%arg0: i32) -> (i32, i32) {
    %c0_i32 = arith.constant 0 : i32
    %c0_i32_0 = arith.constant 0 : i32
    return %arg0, %c0_i32 : i32, i32
  }
}

module attributes {stable_mosaic.version = 14 : i64} {
  func.func @_dense_body(%arg0: i32, %arg1: memref<1x1264x128xf32, #tpu.memory_space<vmem>>, %arg2: memref<1x1264x128xf32, #tpu.memory_space<vmem>>, %arg3: memref<1x1264x1xf32, #tpu.memory_space<vmem>>, %arg4: memref<1x1264x1xf32, #tpu.memory_space<vmem>>, %arg5: memref<1264x128xf32, #tpu.memory_space<vmem>>, %arg6: memref<128x128xf32, #tpu.memory_space<vmem>>, %arg7: memref<1x128xf32, #tpu.memory_space<vmem>>, %arg8: memref<128x128xf32, #tpu.memory_space<vmem>>, %arg9: memref<1264x128xf32, #tpu.memory_space<vmem>>) attributes {dimension_semantics = [#tpu.dimension_semantics<arbitrary>], iteration_bounds = array<i64: 8>, scalar_prefetch = 0 : i64, scratch_operands = 0 : i64, tpu.core_type = #tpu.core_type<tc>, window_params = [{transform_indices = @transform_0, window_bounds = array<i64: 1, 1264, 128>}, {transform_indices = @transform_1, window_bounds = array<i64: 1, 1264, 128>}, {transform_indices = @transform_2, window_bounds = array<i64: 1, 1264, 1>}, {transform_indices = @transform_3, window_bounds = array<i64: 1, 1264, 1>}, {transform_indices = @transform_4, window_bounds = array<i64: 1264, 128>}, {pipeline_mode = #tpu.pipeline_mode<synchronous>, transform_indices = @transform_5, window_bounds = array<i64: 128, 128>}, {pipeline_mode = #tpu.pipeline_mode<synchronous>, transform_indices = @transform_6, window_bounds = array<i64: 1, 128>}, {pipeline_mode = #tpu.pipeline_mode<synchronous>, transform_indices = @transform_7, window_bounds = array<i64: 128, 128>}, {transform_indices = @transform_8, window_bounds = array<i64: 1264, 128>}]} {
    %get3A = arith.constant 0 : index
    %get3A_0 = arith.constant 0 : index
    %get3A_1 = arith.constant 0 : index
    %get3A_2 = vector.load %arg3[%get3A, %get3A_0, %get3A_1] : memref<1x1264x1xf32, #tpu.memory_space<vmem>>, vector<1x1264x1xf32>
    %get3A_3 = vector.shape_cast %get3A_2 : vector<1x1264x1xf32> to vector<1264x1xf32>
    %get3A_4 = arith.constant 0 : index
    %get3A_5 = arith.constant 0 : index
    %get3A_6 = arith.constant 0 : index
    %get3A_7 = vector.load %arg4[%get3A_4, %get3A_5, %get3A_6] : memref<1x1264x1xf32, #tpu.memory_space<vmem>>, vector<1x1264x1xf32>
    %get3A_8 = vector.shape_cast %get3A_7 : vector<1x1264x1xf32> to vector<1264x1xf32>
    %add3A = arith.addf %get3A_3, %get3A_8 : vector<1264x1xf32>
    %max3A = arith.constant 1.000000e+00 : f32
    %max3A_9 = vector.broadcast %max3A : f32 to vector<1264x1xf32>
    %max3A_10 = arith.maximumf %add3A, %max3A_9 : vector<1264x1xf32>
    %get3A_11 = arith.constant 0 : index
    %get3A_12 = arith.constant 0 : index
    %get3A_13 = arith.constant 0 : index
    %get3A_14 = vector.load %arg1[%get3A_11, %get3A_12, %get3A_13] : memref<1x1264x128xf32, #tpu.memory_space<vmem>>, vector<1x1264x128xf32>
    %get3A_15 = vector.shape_cast %get3A_14 : vector<1x1264x128xf32> to vector<1264x128xf32>
    %get3A_16 = arith.constant 0 : index
    %get3A_17 = arith.constant 0 : index
    %get3A_18 = arith.constant 0 : index
    %get3A_19 = vector.load %arg2[%get3A_16, %get3A_17, %get3A_18] : memref<1x1264x128xf32, #tpu.memory_space<vmem>>, vector<1x1264x128xf32>
    %get3A_20 = vector.shape_cast %get3A_19 : vector<1x1264x128xf32> to vector<1264x128xf32>
    %add3A_21 = arith.addf %get3A_15, %get3A_20 : vector<1264x128xf32>
    %div3A = vector.broadcast %max3A_10 : vector<1264x1xf32> to vector<1264x128xf32>
    %div3A_22 = arith.divf %add3A_21, %div3A : vector<1264x128xf32>
    %get3A_23 = arith.constant 0 : index
    %get3A_24 = arith.constant 0 : index
    %get3A_25 = vector.load %arg6[%get3A_23, %get3A_24] : memref<128x128xf32, #tpu.memory_space<vmem>>, vector<128x128xf32>
    %dot_general3A = arith.constant dense<0.000000e+00> : vector<1264x128xf32>
    %dot_general3A_26 = tpu.matmul %div3A_22, %get3A_25, %dot_general3A {dimension_numbers = #tpu.dot_dimension_numbers<[1], [1], [0], [0], [0, 0, 1, 0], [], []>, transpose_lhs_hint = false} : vector<1264x128xf32>, vector<128x128xf32>, vector<1264x128xf32> -> vector<1264x128xf32>
    %get3A_27 = arith.constant 0 : index
    %get3A_28 = arith.constant 0 : index
    %get3A_29 = vector.load %arg7[%get3A_27, %get3A_28] : memref<1x128xf32, #tpu.memory_space<vmem>>, vector<1x128xf32>
    %add3A_30 = vector.broadcast %get3A_29 : vector<1x128xf32> to vector<1264x128xf32>
    %add3A_31 = arith.addf %dot_general3A_26, %add3A_30 : vector<1264x128xf32>
    %get3A_32 = arith.constant 0 : index
    %get3A_33 = arith.constant 0 : index
    %get3A_34 = vector.load %arg5[%get3A_32, %get3A_33] : memref<1264x128xf32, #tpu.memory_space<vmem>>, vector<1264x128xf32>
    %get3A_35 = arith.constant 0 : index
    %get3A_36 = arith.constant 0 : index
    %get3A_37 = vector.load %arg8[%get3A_35, %get3A_36] : memref<128x128xf32, #tpu.memory_space<vmem>>, vector<128x128xf32>
    %dot_general3A_38 = arith.constant dense<0.000000e+00> : vector<1264x128xf32>
    %dot_general3A_39 = tpu.matmul %get3A_34, %get3A_37, %dot_general3A_38 {dimension_numbers = #tpu.dot_dimension_numbers<[1], [1], [0], [0], [0, 0, 1, 0], [], []>, transpose_lhs_hint = false} : vector<1264x128xf32>, vector<128x128xf32>, vector<1264x128xf32> -> vector<1264x128xf32>
    %add3A_40 = arith.addf %add3A_31, %dot_general3A_39 : vector<1264x128xf32>
    %swap3A = arith.constant 0 : index
    %swap3A_41 = arith.constant 0 : index
    %swap3A_42 = vector.load %arg9[%swap3A, %swap3A_41] : memref<1264x128xf32, #tpu.memory_space<vmem>>, vector<1264x128xf32>
    tpu.vector_store %arg9[%swap3A, %swap3A_41], %add3A_40 {strides = array<i32>} : memref<1264x128xf32, #tpu.memory_space<vmem>>, vector<1264x128xf32>,
    return
  }
  func.func @transform_0(%arg0: i32) -> (i32, i32, i32) {
    %c0_i32 = arith.constant 0 : i32
    %c0_i32_0 = arith.constant 0 : i32
    %c0_i32_1 = arith.constant 0 : i32
    return %c0_i32, %arg0, %c0_i32_0 : i32, i32, i32
  }
  func.func @transform_1(%arg0: i32) -> (i32, i32, i32) {
    %c1_i32 = arith.constant 1 : i32
    %c0_i32 = arith.constant 0 : i32
    %c0_i32_0 = arith.constant 0 : i32
    return %c1_i32, %arg0, %c0_i32 : i32, i32, i32
  }
  func.func @transform_2(%arg0: i32) -> (i32, i32, i32) {
    %c0_i32 = arith.constant 0 : i32
    %c0_i32_0 = arith.constant 0 : i32
    %c0_i32_1 = arith.constant 0 : i32
    return %c0_i32, %arg0, %c0_i32_0 : i32, i32, i32
  }
  func.func @transform_3(%arg0: i32) -> (i32, i32, i32) {
    %c1_i32 = arith.constant 1 : i32
    %c0_i32 = arith.constant 0 : i32
    %c0_i32_0 = arith.constant 0 : i32
    return %c1_i32, %arg0, %c0_i32 : i32, i32, i32
  }
  func.func @transform_4(%arg0: i32) -> (i32, i32) {
    %c0_i32 = arith.constant 0 : i32
    %c0_i32_0 = arith.constant 0 : i32
    return %arg0, %c0_i32 : i32, i32
  }
  func.func @transform_5(%arg0: i32) -> (i32, i32) {
    %c0_i32 = arith.constant 0 : i32
    %c0_i32_0 = arith.constant 0 : i32
    %c0_i32_1 = arith.constant 0 : i32
    return %c0_i32, %c0_i32_0 : i32, i32
  }
  func.func @transform_6(%arg0: i32) -> (i32, i32) {
    %c0_i32 = arith.constant 0 : i32
    %c0_i32_0 = arith.constant 0 : i32
    %c0_i32_1 = arith.constant 0 : i32
    return %c0_i32, %c0_i32_0 : i32, i32
  }
  func.func @transform_7(%arg0: i32) -> (i32, i32) {
    %c0_i32 = arith.constant 0 : i32
    %c0_i32_0 = arith.constant 0 : i32
    %c0_i32_1 = arith.constant 0 : i32
    return %c0_i32, %c0_i32_0 : i32, i32
  }
  func.func @transform_8(%arg0: i32) -> (i32, i32) {
    %c0_i32 = arith.constant 0 : i32
    %c0_i32_0 = arith.constant 0 : i32
    return %arg0, %c0_i32 : i32, i32
  }
}

</mosaic_0001>

<sc_bundles>
// kernel: kernel.6.cloned.1.call-start
scs
__scs_entry_jumppad:
0x0: {  	(pc) =	sbr.rel $0x88, $3  }
0x1: {  	(tag) =	ssettag $0x0;
	lr =	simm.s32 $0x1  }
0x2: {  	[smem:$0x3F99] =	sst lr;
	_ =	strace $0xD0000000  }
0x3: {  	_ = 	snop  }
0x4: {  	_ = 	snop  }
0x5: {  	_ = 	snop  }
0x6: {  	_ = 	snop  }
0x7: {  	_ = 	snop  }
__scs_overlays_trampoline_lowered:
0x8: {  	[smem:$0x3FA8] =	sst s0  }
0x9: {  	[smem:$0x3FA9] =	sst s1  }
0xa: {  	[smem:$0x3FAA] =	sst s2  }
0xb: {  	[smem:$0x3FAB] =	sst s3  }
0xc: {  	[smem:$0x3FAC] =	sst s4  }
0xd: {  	[smem:$0x3FAD] =	sst s5  }
0xe: {  	[smem:$0x3FAE] =	sst s6  }
0xf: {  	[smem:$0x3FAF] =	sst s7  }
0x10: {  	[smem:$0x3FB0] =	sst s8  }
0x11: {  	[smem:$0x3FB1] =	sst s9;
	s0 =	simm.s32 @!p0 $0x0  }
0x12: {  	s1 =	sld [smem:$0x3F97];
	s0 =	simm.s32 @p0 $0x1  }
0x13: {  	[smem:$0x3FB2] =	sst s0;
	s0 =	simm.s32 @!p1 $0x0  }
0x14: {  	s2 =	sld [smem:$0x3F96];
	s0 =	simm.s32 @p1 $0x1  }
0x15: {  	[smem:$0x3FB3] =	sst s0;
	s0 =	simm.s32 @!p2 $0x0  }
0x16: {  	s3 =	sld [smem:$0x3FDB];
	s0 =	simm.s32 @p2 $0x1  }
0x17: {  	s4 =	simm.s32 $0x1BF5;
	[smem:$0x3FB5] =	sst s0  }
0x18: {  	s0 =	sld [smem:$0x3F98];
	_ =	swait.ge [sflag:s4], $0x0  }
0x19: {  	s7 =	sld [smem:$0x3F99]  }
0x1a: {  	s8 =	sadd.s32 $0xFFFFE003, lr  }
0x1b: {  	s9 =	sadd.s32 $0xFFFFFEF7, lr;
	s5 =	simm.s32 $0xFFFFFFFF;
	p2 =	slt.u32 s8, $0xFFFFF086  }
0x1c: {  	p1 =	slt.u32 s9, $0xF7A;
	s5 =	simm.s32 @!p2 $0x0  }
0x1d: {  	s5 =	simm.s32 @p1 $0x1;
	p0 =	seq.s32 s7, s2  }
0x1e: {  	s7 =	smul.u32 @!p0 $0xF7A, s2;
	p2 =	seq.s32 @!p0 s5, $0x0  }
0x1f: {  	s9 =	smul.u32 $0xF7A, s1;
	s8 =	simm.s32 @!p0 $0x1BF5;
	p2 =	por !p2, p0  }
0x20: {  	[sflag:s8] =	ssyncset.s32 @!p0 $0xFFFFF086;
	s6 =	sadd.s32 @!p0 s3, s7;
	s7 =	simm.s32 @!p0 $0x108  }
0x21: {  	s3 =	sadd.s32 s3, s9;
	s6 =	sadd.s32 @!p0 $0x88, s6;
	s7 =	simm.s32 @p2 $0x1082  }
0x22: {  	[simem:s7], [sflag:s8] =	dma.local @!p0 [hbm:s6], $0xF7A  }
0x23: {  	s9 =	sor.u32 $0xD0000000, s2;
	s6 =	simm.s32 $0x108;
	_ =	swait.ge @!p0 [sflag:s8], $0x0  }
0x24: {  	s3 =	sadd.s32 $0x88, s3;
	s6 =	simm.s32 @!p1 $0x1082;
	[sflag:s4] =	ssyncset.s32 $0xFFFFF086  }
0x25: {  	[simem:s6], [sflag:s4] =	dma.local [hbm:s3], $0xF7A  }
0x26: {  	[smem:$0x3F99] =	sst s1;
	(tag) =	ssettag s2;
	_ =	strace s9  }
0x27: {  	s1 =	sld [smem:$0x3FA9]  }
0x28: {  	s2 =	sld [smem:$0x3FAA]  }
0x29: {  	s4 =	sld [smem:$0x3FAC]  }
0x2a: {  	p0 =	seq.s32 s5, $0x0;
	s5 =	sld [smem:$0x3FAD]  }
0x2b: {  	s6 =	sld [smem:$0x3FAE]  }
0x2c: {  	s7 =	sld [smem:$0x3FAF]  }
0x2d: {  	s3 =	simm.s32 $0x108;
	s8 =	sld [smem:$0x3FB0]  }
0x2e: {  	s3 =	simm.s32 @!p0 $0x1082;
	s9 =	sld [smem:$0x3FB1]  }
0x2f: {  	lr =	sadd.s32 s0, s3;
	s0 =	sld [smem:$0x3FA8]  }
0x30: {  	s3 =	sld [smem:$0x3FAB]  }
0x31: {  	[smem:$0x3FB4] =	sst s10  }
0x32: {  	s10 =	sld [smem:$0x3FB2];
	_ =	sdelay $0x3  }
0x33: {  	p0 =	seq.s32 s10, $0x1;
	s10 =	sld [smem:$0x3FB4];
	_ =	sdelay $0x3  }
0x34: {  	[smem:$0x3FB4] =	sst s10  }
0x35: {  	s10 =	sld [smem:$0x3FB3];
	_ =	sdelay $0x3  }
0x36: {  	p1 =	seq.s32 s10, $0x1;
	s10 =	sld [smem:$0x3FB4];
	_ =	sdelay $0x3  }
0x37: {  	[smem:$0x3FB4] =	sst s10  }
0x38: {  	s10 =	sld [smem:$0x3FB5]  }
0x39: {  	_ = 	snop;
	(pc) =	sbr.ind lr, $3  }
0x3a: {  	_ = 	snop  }
0x3b: {  	_ = 	snop  }
0x3c: {  	p2 =	seq.s32 s10, $0x1;
	s10 =	sld [smem:$0x3FB4]  }
0x3d: {  	_ =	shalt  }
0x3e: {  	_ =	shalt  }
0x3f: {  	_ =	shalt  }
0x40: {  	_ =	shalt  }
0x41: {  	_ =	shalt  }
0x42: {  	_ =	shalt  }
0x43: {  	_ =	shalt  }
0x44: {  	_ =	shalt  }
0x45: {  	_ =	shalt  }
0x46: {  	_ =	shalt  }
0x47: {  	_ =	shalt  }
0x48: {  	_ =	shalt  }
0x49: {  	_ =	shalt  }
0x4a: {  	_ =	shalt  }
0x4b: {  	_ =	shalt  }
0x4c: {  	_ =	shalt  }
0x4d: {  	_ =	shalt  }
0x4e: {  	_ =	shalt  }
0x4f: {  	_ =	shalt  }
0x50: {  	_ =	shalt  }
0x51: {  	_ =	shalt  }
0x52: {  	_ =	shalt  }
0x53: {  	_ =	shalt  }
0x54: {  	_ =	shalt  }
0x55: {  	_ =	shalt  }
0x56: {  	_ =	shalt  }
0x57: {  	_ =	shalt  }
0x58: {  	_ =	shalt  }
0x59: {  	_ =	shalt  }
0x5a: {  	_ =	shalt  }
0x5b: {  	_ =	shalt  }
0x5c: {  	_ =	shalt  }
0x5d: {  	_ =	shalt  }
0x5e: {  	_ =	shalt  }
0x5f: {  	_ =	shalt  }
0x60: {  	_ =	shalt  }
0x61: {  	_ =	shalt  }
0x62: {  	_ =	shalt  }
0x63: {  	_ =	shalt  }
0x64: {  	_ =	shalt  }
0x65: {  	_ =	shalt  }
0x66: {  	_ =	shalt  }
0x67: {  	_ =	shalt  }
0x68: {  	_ =	shalt  }
0x69: {  	_ =	shalt  }
0x6a: {  	_ =	shalt  }
0x6b: {  	_ =	shalt  }
0x6c: {  	_ =	shalt  }
0x6d: {  	_ =	shalt  }
0x6e: {  	_ =	shalt  }
0x6f: {  	_ =	shalt  }
0x70: {  	_ =	shalt  }
0x71: {  	_ =	shalt  }
0x72: {  	_ =	shalt  }
0x73: {  	_ =	shalt  }
0x74: {  	_ =	shalt  }
0x75: {  	_ =	shalt  }
0x76: {  	_ =	shalt  }
0x77: {  	_ =	shalt  }
0x78: {  	_ =	shalt  }
0x79: {  	_ =	shalt  }
0x7a: {  	_ =	shalt  }
0x7b: {  	_ =	shalt  }
0x7c: {  	_ =	shalt  }
0x7d: {  	_ =	shalt  }
0x7e: {  	_ =	shalt  }
0x7f: {  	_ =	shalt  }
0x80: {  	_ =	shalt  }
0x81: {  	_ =	shalt  }
0x82: {  	_ =	shalt  }
0x83: {  	_ =	shalt  }
0x84: {  	_ =	shalt  }
0x85: {  	_ =	shalt  }
0x86: {  	_ =	shalt  }
0x87: {  	_ =	shalt  }
.Lfunc_end0:
.L_simem_size_0:
called_computation_lowered:
.L_overlay_start_0:
0x88: {  	s2 =	sld [smem:$0x3FD9]  }
0x89: {  	s3 =	sld [smem:$0x3FFE];
	_ =	sdelay $0x1  }
0x8a: {  	s1 =	srdreg.scid  }
0x8b: {  	s0 =	sand.u32 $0x1, s1  }
0x8c: {  	s17 =	sshll.u32 s0, $0xA;
	s2 =	sadd.s32 s3, s2  }
0x8d: {  	s2 =	sadd.s32 s2, s17  }
0x8e: {  	[smem:$0x3FC0] =	sst s2  }
0x8f: {  	_ = 	snop  }
0x90: {  	s2 =	sld [smem:$0x3FD0];
	(tm) =	ssettm $0x1  }
0x91: {  	s18 =	sld [smem:$0x3FFB];
	_ =	sdelay $0x3  }
0x92: {  	_ =	strace s18  }
0x93: {  	s3 =	sld [smem:$0x3FFC];
	_ =	sdelay $0x3  }
0x94: {  	_ =	strace s3  }
0x95: {  	s3 =	sld [smem:$0x3FFD];
	_ =	sdelay $0x3  }
0x96: {  	_ =	strace s3  }
0x97: {  	_ =	strace $0x8FFFFFFF  }
0x98: {  	s19 =	sld [smem:$0x3FDB];
	_ =	sdelay $0x1  }
0x99: {  	s4 =	simm.s32 $_scs_section_size  }
0x9a: {  	s5 =	simm.s32 $_size__tile_overlayer_lowered;
	s6 =	simm.s32 $_tile_overlayer_lowered  }
0x9b: {  	s22 =	simm.s32 $0x1BFF;
	s21 =	sshll.u32 s6, $0x1;
	s3 =	sadd.s32 s4, s19  }
0x9c: {  	s7 =	simm.s32 $0x0;
	s20 =	sshll.u32 s5, $0x1;
	s5 =	sadd.s32 s21, s3  }
0x9d: {  	[timem:s7], [sflag:s22] =	dma.local [hbm:s5], s20  }
0x9e: {  	_ =	swait.ge [sflag:s22], s20  }
0x9f: {  	s4 =	ssub.s32 $0x0, s20;
	[sflag:s22] =	ssyncset.done $0x0  }
0xa0: {  	[sflag:s22] =	ssyncadd.s32 s4;
	_ =	sdelay $0x1  }
0xa1: {  	s23 =	simm.s32 $0x1B8B  }
0xa2: {  	_ =	swait.ge [sflag:s23], $0x1  }
0xa3: {  	[sflag:s23] =	ssyncset.done $0x0  }
0xa4: {  	s25 =	simm.s32 $0x1B8E;
	s24 =	sld [smem:$0x3FFE];
	[sflag:s23] =	ssyncadd.s32 $0xFFFFFFFF  }
0xa5: {  	s26 =	simm.s32 $execute0_lowered;
	[smem:$0x3FD2] =	sst s25  }
0xa6: {  	s5 =	sshll.u32 s26, $0x1;
	_ =	strace $0x80000046;
	[dreg:$0x1] =	wrdreg $0xFFFFFFFF  }
0xa7: {  	s28 =	simm.s32 $_size_execute0_lowered;
	s3 =	sadd.s32 s3, s5;
	[dreg:$0x0] =	wrdreg $0x0  }
0xa8: {  	s5 =	sshll.u32 s28, $0x1;
	[dreg:$0x2] =	wrdreg s3  }
0xa9: {  	[dreg:$0x3] =	wrdreg s5  }
0xaa: {  	[dreg:$0x4] =	wrdreg $0xC0  }
0xab: {  	_ =	task [dreg:s7], $0x5FFFF  }
0xac: {  	[dreg:$0x1] =	wrdreg $0xFFFFFFFF  }
0xad: {  	[dreg:$0x0] =	wrdreg $0x60  }
0xae: {  	[dreg:$0x2] =	wrdreg s24  }
0xaf: {  	[dreg:$0x3] =	wrdreg s2  }
0xb0: {  	[dreg:$0x4] =	wrdreg $0x0  }
0xb1: {  	[dreg:$0x5] =	wrdreg $0x1F9800  }
0xb2: {  	[dreg:$0x6] =	wrdreg $0x9  }
0xb3: {  	_ =	task.clear_ibuf [dreg:s7], $0x7FFFF;
	_ =	strace $0x90000046  }
0xb4: {  	s29 =	simm.s32 $0x9;
	_ =	strace $0x80000048  }
0xb5: {  	_ =	swait.ge [sflag:s29], $0x1  }
0xb6: {  	[sflag:s29] =	ssyncadd.s32 $0xFFFFFFFF  }
0xb7: {  	_ =	strace $0x90000048  }
0xb8: {  	_ =	sfence  }
0xb9: {  	s30 =	sld [smem:$0x0];
	_ =	sdelay $0x2  }
0xba: {  	s31 =	sshll.u32 s1, $0xD;
	s1 =	sshrl.u32 s1, $0x2  }
0xbb: {  	s3 =	sand.u32 $0x4000, s31;
	s1 =	sadd.s32 s1, s30  }
0xbc: {  	s0 =	sor.u32 s3, s0;
	s1 =	sshll.u32 s1, $0x11  }
0xbd: {  	s0 =	sor.u32 s1, s0  }
0xbe: {  	s0 =	sadd.s32 $0x8F2B, s0  }
0xbf: {  	[sflag:s0] =	ssyncadd.remote.s32 $0x1  }
0xc0: {  	_ =	sfence.sel $0xFFFF  }
0xc1: {  	[dreg:$0x0] =	wrdreg $0xFFFFFFFF;
	(pc) =	sbr.abs _section_cstart, $3  }
0xc2: {  	[dreg:$0x1] =	wrdreg $0xFFFFFFFF  }
0xc3: {  	_ =	task.clear_ibuf [dreg:s7], $0x2FFFF;
	_ =	strace $0x9FFFFFFF  }
0xc4: {  	(tm) =	ssettm $0x7FFFFFFF  }
0xc5: {  	_ =	shalt  }
tec
execute0_lowered:
.L_overlay_start_1:
0x0: {  	(tag) =	ssettag $0x1  }
0x1: {  	s0 =	rddreg [dreg:$0x0]  }
0x2: {  	s3 =	rddreg [dreg:$0x1]  }
0x3: {  	s1 =	rddreg [dreg:$0x2]  }
0x4: {  	s2 =	rddreg [dreg:$0x3]  }
0x5: {  	s4 =	simm.s32 $0x0;
	s5 =	srdreg.scid;
	s15 =	stileid.u32  }
0x6: {  	s28 =	simm.s32 $0x1BC00;
	s29 =	simm.s32 $0x28;
	s30 =	simm.s32 $0x1BD80  }
0x7: {  	[smem:$0x7FF] =	sst s4;
	s8 =	sand.u32 $0x1, s5;
	s10 =	smul.u32 $0x13C00, s15  }
0x8: {  	s5 =	sadd.s32 $0x22200, s0;
	s6 =	sadd.s32 $0x2200, s0;
	s11 =	smul.u32 $0x500, s15  }
0x9: {  	s7 =	sadd.s32 $0x49E00, s0;
	s12 =	sadd.s32 $0x49C00, s0;
	s13 =	smul.u32 $0xA00, s15  }
0xa: {  	s21 =	sadd.s32 $0x49A00, s0;
	s23 =	sshll.u32 s15, $0xF;
	s24 =	smul.u32 $0x4F000, s15  }
0xb: {  	s9 =	smul.u32 $0x13C000, s8;
	_ =	strace $0x80000047;
	[dreg:$0x5] =	wrdreg s12  }
0xc: {  	s20 =	sshll.u32 s8, $0x7;
	[dreg:$0x6] =	wrdreg s21;
	s22 =	ssub.s32 $0x2, s8  }
0xd: {  	s14 =	sshrl.u32 s22, $0x1;
	s9 =	sadd.s32 s10, s9;
	s10 =	sor.u32 s20, s11  }
0xe: {  	s8 =	sshll.u32 s8, $0x13;
	s25 =	ssub.s32 s22, s14;
	s11 =	sshrl.u32 s10, $0x3  }
0xf: {  	s10 =	sor.u32 s23, s8;
	s8 =	sshrl.u32 s24, $0x2;
	s19 =	smax.u32 s25, $0x1  }
0x10: {  	s26 =	sshrl.u32 s10, $0x3;
	s15 =	sadd.s32 s8, s1;
	[dreg:$0xf] =	wrdreg s19  }
0x11: {  	s9 =	sshrl.u32 s9, $0x3;
	s3 =	sadd.s32 s3, s26;
	[dreg:$0x9] =	wrdreg s15  }
0x12: {  	s9 =	sadd.s32 s9, s0;
	s16 =	sadd.s32 s6, s26;
	[dreg:$0x7] =	wrdreg s3  }
0x13: {  	s0 =	sadd.s32 s11, s0;
	s18 =	sadd.s32 $0x4B000, s9;
	[dreg:$0xa] =	wrdreg s16  }
0x14: {  	s14 =	sshrl.u32 s13, $0x2;
	s0 =	sadd.s32 $0x4A600, s0;
	[dreg:$0xd] =	wrdreg s18  }
0x15: {  	s31 =	simm.s32 $0x1;
	s3 =	sadd.s32 s14, s2;
	[dreg:$0xe] =	wrdreg s0  }
0x16: {  	s21 =	simm.s32 $0xD;
	s12 =	sadd.s32 $0x10, s16;
	[dreg:$0x8] =	wrdreg s3  }
0x17: {  	s20 =	sadd.s32 $0x4000, s15;
	s8 =	sadd.s32 $0x20, s16;
	[dreg:$0xb] =	wrdreg s12  }
0x18: {  	s22 =	sadd.s32 $0x8000, s15;
	s0 =	sshrl.u32 s20, $0x3;
	[dreg:$0xc] =	wrdreg s8  }
0x19: {  	s23 =	sadd.s32 $0xC000, s15;
	s24 =	sshrl.u32 s22, $0x3;
	[dreg:$0x10] =	wrdreg s0  }
0x1a: {  	s17 =	sadd.s32 $0x10000, s15;
	s25 =	sshrl.u32 s23, $0x3;
	[dreg:$0x11] =	wrdreg s24  }
0x1b: {  	s11 =	simm.s32 $0xB;
	s26 =	sshrl.u32 s17, $0x3;
	[dreg:$0x12] =	wrdreg s25  }
0x1c: {  	s15 =	simm.s32 $0xC;
	s16 =	simm.s32 $0x0;
	[dreg:$0x13] =	wrdreg s26  }
0x1d: {  	s26 =	simm.s32 $0x1FC00;
	s0 =	simm.s32 $0x4;
	s12 =	simm.s32 $0x9  }
.LBB2_1:
0x1e: {  	s3 =	rddreg [dreg:$0x7];
	s8 =	simm.s32 $0x13C00  }
0x1f: {  	[tilespmem:s8], [sflag:$0xD] =	stream.linear.gather [hbm4b:s3+s4], $0x7D00, $0x38;
	[tilespmem:$0x1FC80] =	vst v63  }
0x20: {  	_ =	swait.ge [sflag:s21], $0x7D00  }
0x21: {  	[sflag:s21] =	ssyncset.done $0x0  }
0x22: {  	s9 =	stileid.u32;
	s25 =	rddreg [dreg:$0x6];
	[sflag:s21] =	ssyncadd.s32 $0xFFFF8300  }
0x23: {  	[tilespmem:s26], [sflag:$0xD] =	stream.linear.gather [hbm4b:s25+s4], $0x80, $0x38;
	[tilespmem:$0x1FC80] =	vst v63  }
0x24: {  	s17 =	sshll.u32 s9, $0x6;
	_ =	swait.ge [sflag:s21], $0x80  }
0x25: {  	s17 =	sor.u32 $0x1C0D, s17;
	[sflag:s21] =	ssyncset.done $0x0;
	s13 =	rddreg [dreg:$0x8]  }
0x26: {  	s14 =	rddreg [dreg:$0x5];
	[sflag:s21] =	ssyncadd.s32 $0xFFFFFF80;
	s18 =	sshrl.u32 s13, $0x3  }
0x27: {  	[spmem:s18], [sflag:s17] =	dma.local [hbm:s14], $0x50  }
0x28: {  	_ =	swait.ge [sflag:s21], $0x50  }
0x29: {  	[sflag:s21] =	ssyncset.done $0x0;
	s19 =	rddreg [dreg:$0x9]  }
0x2a: {  	[sflag:s21] =	ssyncadd.s32 $0xFFFFFFB0;
	s19 =	sshrl.u32 s19, $0x3  }
0x2b: {  	[spmem:s19], [sflag:s17] =	dma.local [hbm:s7], $0x800  }
0x2c: {  	_ =	swait.ge [sflag:s21], $0x800  }
0x2d: {  	[sflag:s21] =	ssyncset.done $0x0  }
0x2e: {  	s20 =	rddreg [dreg:$0x10];
	[sflag:s21] =	ssyncadd.s32 $0xFFFFF800  }
0x2f: {  	[spmem:s20], [sflag:s17] =	dma.local [hbm:s7], $0x800  }
0x30: {  	_ =	swait.ge [sflag:s21], $0x800  }
0x31: {  	[sflag:s21] =	ssyncset.done $0x0  }
0x32: {  	s22 =	rddreg [dreg:$0x11];
	[sflag:s21] =	ssyncadd.s32 $0xFFFFF800  }
0x33: {  	[spmem:s22], [sflag:s17] =	dma.local [hbm:s7], $0x800  }
0x34: {  	_ =	swait.ge [sflag:s21], $0x800  }
0x35: {  	[sflag:s21] =	ssyncset.done $0x0  }
0x36: {  	s23 =	rddreg [dreg:$0x12];
	[sflag:s21] =	ssyncadd.s32 $0xFFFFF800  }
0x37: {  	[spmem:s23], [sflag:s17] =	dma.local [hbm:s7], $0x800  }
0x38: {  	_ =	swait.ge [sflag:s21], $0x800  }
0x39: {  	[sflag:s21] =	ssyncset.done $0x0  }
0x3a: {  	s24 =	rddreg [dreg:$0x13];
	[sflag:s21] =	ssyncadd.s32 $0xFFFFF800  }
0x3b: {  	[spmem:s24], [sflag:s17] =	dma.local [hbm:s7], $0x780  }
0x3c: {  	_ =	swait.ge [sflag:s21], $0x780  }
0x3d: {  	[sflag:s21] =	ssyncset.done $0x0  }
0x3e: {  	[sflag:s21] =	ssyncadd.s32 $0xFFFFF880  }
0x3f: {  	[bflag:$0x0] =	sbarrier.arrive $0xFFFF  }
0x40: {  	s25 =	rddreg [dreg:$0xa]  }
0x41: {  	[tilespmem:s28], [sflag:$0x4] =	stream.linear.gather [hbm4b:s25+s4], $0x80, $0x38;
	[tilespmem:$0x1FC80] =	vst v63  }
0x42: {  	_ = 	snop  }
0x43: {  	[tilespmem:s30], [sflag:$0x1] =	stream.indirect.gather [hbm4b:s5+s29], $0x80, s8, s29, $0xb8;
	[tilespmem:$0x1FC80] =	vst v63  }
0x44: {  	s13 =	simm.s32 $0x1BC80;
	s9 =	rddreg [dreg:$0xb]  }
0x45: {  	[tilespmem:s13], [sflag:$0x5] =	stream.linear.gather [hbm4b:s9+s4], $0x80, $0x38;
	[tilespmem:$0x1FC80] =	vst v63  }
0x46: {  	s14 =	simm.s32 $0x13C80;
	s20 =	simm.s32 $0x1D180;
	s23 =	simm.s32 $0x1BD00  }
0x47: {  	[tilespmem:s20], [sflag:$0x2] =	stream.indirect.gather [hbm4b:s5+s29], $0x80, s14, s29, $0xb8;
	[tilespmem:$0x1FC80] =	vst v63  }
0x48: {  	s24 =	simm.s32 $0x13D00;
	s22 =	rddreg [dreg:$0xc];
	s25 =	simm.s32 $0x1E580  }
0x49: {  	[tilespmem:s23], [sflag:$0x6] =	stream.linear.gather [hbm4b:s22+s4], $0x80, $0x38;
	[tilespmem:$0x1FC80] =	vst v63  }
0x4a: {  	s20 =	simm.s32 $0x280;
	s22 =	simm.s32 $0x13E80;
	s23 =	simm.s32 $0x0  }
0x4b: {  	[tilespmem:s25], [sflag:$0x3] =	stream.indirect.gather [hbm4b:s5+s29], $0x80, s24, s29, $0xb8;
	[tilespmem:$0x1FC80] =	vst v63  }
.LBB2_2:
0x4c: {  	_ =	swait.ge [sflag:s31], $0x1400  }
0x4d: {  	[sflag:s31] =	ssyncset.done $0x0  }
0x4e: {  	[sflag:s31] =	ssyncadd.s32 $0xFFFFEC00  }
0x4f: {  	_ =	swait.ge [sflag:s0], $0x80  }
0x50: {  	[sflag:s0] =	ssyncset.done $0x0  }
0x51: {  	p0 =	seq.s32 s20, $0x7F00;
	[sflag:s0] =	ssyncadd.s32 $0xFFFFFF80  }
0x52: {  	[spmem:s1] =	stream.indirect.scatter.add.f32 [tilespmem:s30], [sflag:$0x7], $0x80, s28, s29, $0xb8;
	[tilespmem:$0x1FC80] =	vst v63  }
0x53: {  	s24 =	simm.s32 @!p0 $0x7  }
0x54: {  	[spmem:s2] =	stream.indirect.scatter.add.f32 [tilespmem:s26], [sflag:$0xA], $0x1, s28, s29, $0xb8;
	[tilespmem:$0x1FC80] =	vst v63  }
0x55: {  	s14 =	sadd.s32 @!p0 $0xFFFFFF00, s20;
	_ =	swait.ge @!p0 [sflag:s24], $0x1400  }
0x56: {  	s25 =	sand.u32 @!p0 $0x1FC00, s14;
	s14 =	sand.u32 @!p0 $0x380, s14;
	[sflag:s24] =	ssyncset.done @!p0 $0x0  }
0x57: {  	s25 =	sadd.s32 @!p0 s10, s25;
	[sflag:s24] =	ssyncadd.s32 @!p0 $0xFFFFEC00;
	s24 =	simm.s32 @!p0 $0xA  }
0x58: {  	s14 =	sor.u32 @!p0 s14, s25;
	_ =	swait.ge @!p0 [sflag:s24], $0x28  }
0x59: {  	s25 =	simm.s32 @!p0 $0x1BC00;
	s14 =	sshrl.u32 @!p0 s14, $0x3;
	[sflag:s24] =	ssyncset.done @!p0 $0x0  }
0x5a: {  	s14 =	sadd.s32 @!p0 s6, s14;
	[sflag:s24] =	ssyncadd.s32 @!p0 $0xFFFFFFD8;
	s24 =	simm.s32 @!p0 $0x0  }
0x5b: {  	[tilespmem:s25], [sflag:$0x4] =	stream.linear.gather @!p0 [hbm4b:s14+s24], $0x80, $0x38;
	[tilespmem:$0x1FC80] =	vst v63  }
0x5c: {  	s14 =	sadd.s32 @!p0 $0xFFFFFF00, s22;
	s24 =	simm.s32 @!p0 $0x28;
	s25 =	simm.s32 @!p0 $0x1BD80  }
0x5d: {  	[tilespmem:s25], [sflag:$0x1] =	stream.indirect.gather @!p0 [hbm4b:s5+s24], $0x80, s14, s24, $0xb8;
	[tilespmem:$0x1FC80] =	vst v63  }
0x5e: {  	s14 =	simm.s32 @!p0 $0x2  }
0x5f: {  	_ =	swait.ge @!p0 [sflag:s14], $0x1400  }
0x60: {  	[sflag:s14] =	ssyncset.done @!p0 $0x0  }
0x61: {  	[sflag:s14] =	ssyncadd.s32 @!p0 $0xFFFFEC00;
	s14 =	simm.s32 @!p0 $0x5  }
0x62: {  	_ =	swait.ge @!p0 [sflag:s14], $0x80  }
0x63: {  	p1 =	sgt.u32 @!p0 s23, $0x51;
	[sflag:s14] =	ssyncset.done @!p0 $0x0  }
0x64: {  	s25 =	simm.s32 @!p0 $0x1D180;
	[sflag:s14] =	ssyncadd.s32 @!p0 $0xFFFFFF80;
	s14 =	simm.s32 @!p0 $0x1BC80  }
0x65: {  	[spmem:s1] =	stream.indirect.scatter.add.f32 @!p0 [tilespmem:s25], [sflag:$0x8], $0x80, s14, s24, $0xb8;
	[tilespmem:$0x1FC80] =	vst v63  }
0x66: {  	p2 =	por !p1, p0;
	s25 =	simm.s32 @!p0 $0x1FC00  }
0x67: {  	[spmem:s2] =	stream.indirect.scatter.add.f32 @!p0 [tilespmem:s25], [sflag:$0xB], $0x1, s14, s24, $0xb8;
	[tilespmem:$0x1FC80] =	vst v63  }
0x68: {  	s14 =	simm.s32 @!p2 $0x3  }
0x69: {  	_ =	swait.ge @!p2 [sflag:s14], $0x1400  }
0x6a: {  	[sflag:s14] =	ssyncset.done @!p2 $0x0  }
0x6b: {  	[sflag:s14] =	ssyncadd.s32 @!p2 $0xFFFFEC00;
	s14 =	simm.s32 @!p2 $0x6  }
0x6c: {  	_ =	swait.ge @!p2 [sflag:s14], $0x80  }
0x6d: {  	s24 =	simm.s32 @!p2 $0x1BD00;
	[sflag:s14] =	ssyncset.done @!p2 $0x0  }
0x6e: {  	s25 =	simm.s32 @!p2 $0x1E580;
	[sflag:s14] =	ssyncadd.s32 @!p2 $0xFFFFFF80;
	s14 =	simm.s32 @!p2 $0x28  }
0x6f: {  	[spmem:s1] =	stream.indirect.scatter.add.f32 @!p2 [tilespmem:s25], [sflag:$0x9], $0x80, s24, s14, $0xb8;
	[tilespmem:$0x1FC80] =	vst v63  }
0x70: {  	p1 =	por p1, p0;
	s25 =	simm.s32 @!p2 $0x1FC00  }
0x71: {  	[spmem:s2] =	stream.indirect.scatter.add.f32 @!p2 [tilespmem:s25], [sflag:$0xC], $0x1, s24, s14, $0xb8;
	[tilespmem:$0x1FC80] =	vst v63  }
0x72: {  	s14 =	simm.s32 @!p1 $0x8  }
0x73: {  	_ =	swait.ge @!p1 [sflag:s14], $0x1400  }
0x74: {  	s24 =	sadd.s32 @!p1 $0xFFFFFF80, s20;
	[sflag:s14] =	ssyncset.done @!p1 $0x0  }
0x75: {  	s25 =	sand.u32 @!p1 $0x1FC00, s24;
	[sflag:s14] =	ssyncadd.s32 @!p1 $0xFFFFEC00;
	s14 =	simm.s32 @!p1 $0xB  }
0x76: {  	s24 =	sand.u32 @!p1 $0x380, s24;
	s25 =	sadd.s32 @!p1 s10, s25;
	_ =	swait.ge @!p1 [sflag:s14], $0x28  }
0x77: {  	s24 =	sor.u32 @!p1 s24, s25;
	[sflag:s14] =	ssyncset.done @!p1 $0x0  }
0x78: {  	[sflag:s14] =	ssyncadd.s32 @!p1 $0xFFFFFFD8;
	s14 =	sshrl.u32 @!p1 s24, $0x3  }
0x79: {  	s25 =	simm.s32 @!p1 $0x1BC80;
	s24 =	simm.s32 @!p1 $0x0;
	s14 =	sadd.s32 @!p1 s6, s14  }
0x7a: {  	[tilespmem:s25], [sflag:$0x5] =	stream.linear.gather @!p1 [hbm4b:s14+s24], $0x80, $0x38;
	[tilespmem:$0x1FC80] =	vst v63  }
0x7b: {  	s13 =	simm.s32 @!p1 $0x1D180;
	s14 =	sadd.s32 @!p1 $0xFFFFFF80, s22;
	s25 =	simm.s32 @!p1 $0x28  }
0x7c: {  	[tilespmem:s13], [sflag:$0x2] =	stream.indirect.gather @!p1 [hbm4b:s5+s25], $0x80, s14, s25, $0xb8;
	[tilespmem:$0x1FC80] =	vst v63  }
0x7d: {  	s13 =	simm.s32 @!p1 $0x3  }
0x7e: {  	_ =	swait.ge @!p1 [sflag:s13], $0x1400  }
0x7f: {  	[sflag:s13] =	ssyncset.done @!p1 $0x0  }
0x80: {  	[sflag:s13] =	ssyncadd.s32 @!p1 $0xFFFFEC00;
	s13 =	simm.s32 @!p1 $0x6  }
0x81: {  	_ =	swait.ge @!p1 [sflag:s13], $0x80  }
0x82: {  	[sflag:s13] =	ssyncset.done @!p1 $0x0  }
0x83: {  	s14 =	simm.s32 @!p1 $0x1E580;
	[sflag:s13] =	ssyncadd.s32 @!p1 $0xFFFFFF80;
	s13 =	simm.s32 @!p1 $0x1BD00  }
0x84: {  	[spmem:s1] =	stream.indirect.scatter.add.f32 @!p1 [tilespmem:s14], [sflag:$0x9], $0x80, s13, s25, $0xb8;
	[tilespmem:$0x1FC80] =	vst v63  }
0x85: {  	s3 =	simm.s32 @!p1 $0x1FC00  }
0x86: {  	[spmem:s2] =	stream.indirect.scatter.add.f32 @!p1 [tilespmem:s3], [sflag:$0xC], $0x1, s13, s25, $0xb8;
	[tilespmem:$0x1FC80] =	vst v63  }
0x87: {  	s3 =	simm.s32 @!p1 $0x9  }
0x88: {  	_ =	swait.ge @!p1 [sflag:s3], $0x1400  }
0x89: {  	[sflag:s3] =	ssyncset.done @!p1 $0x0  }
0x8a: {  	[sflag:s3] =	ssyncadd.s32 @!p1 $0xFFFFEC00;
	s3 =	sand.u32 @!p1 $0x1FC00, s20  }
0x8b: {  	s8 =	simm.s32 @!p1 $0xC;
	s9 =	sand.u32 @!p1 $0x380, s20;
	s3 =	sadd.s32 @!p1 s10, s3  }
0x8c: {  	_ =	swait.ge @!p1 [sflag:s8], $0x28;
	s3 =	sor.u32 @!p1 s9, s3  }
0x8d: {  	[sflag:s8] =	ssyncset.done @!p1 $0x0;
	s3 =	sshrl.u32 @!p1 s3, $0x3  }
0x8e: {  	[sflag:s8] =	ssyncadd.s32 @!p1 $0xFFFFFFD8;
	s3 =	sadd.s32 @!p1 s6, s3  }
0x8f: {  	[tilespmem:s13], [sflag:$0x6] =	stream.linear.gather @!p1 [hbm4b:s3+s24], $0x80, $0x38;
	[tilespmem:$0x1FC80] =	vst v63  }
0x90: {  	s20 =	sadd.s32 @!p0 $0x180, s20  }
0x91: {  	[tilespmem:s14], [sflag:$0x3] =	stream.indirect.gather @!p1 [hbm4b:s5+s25], $0x80, s22, s25, $0xb8;
	[tilespmem:$0x1FC80] =	vst v63  }
0x92: {  	p1 =	sne.s32 @!p0 s20, $0x8080  }
0x93: {  	p1 =	por p0, !p1  }
.Ltmp0:
0x94: {  	_ = 	snop;
	(pc) =	sbr.rel @!p1 .LBB2_2-.Ltmp0, $2  }
0x95: {  	_ =	sdelay $0x2  }
0x96: {  	s23 =	sadd.s32 @!p0 $0x1, s23;
	s22 =	sadd.s32 @!p0 $0x180, s22  }
0x97: {  	s3 =	simm.s32 $0x7  }
0x98: {  	_ =	swait.ge [sflag:s3], $0x1400  }
0x99: {  	[sflag:s3] =	ssyncset.done $0x0  }
0x9a: {  	s20 =	simm.s32 $0xA;
	[sflag:s3] =	ssyncadd.s32 $0xFFFFEC00  }
0x9b: {  	_ =	swait.ge [sflag:s20], $0x28  }
0x9c: {  	[sflag:s20] =	ssyncset.done $0x0  }
0x9d: {  	s22 =	simm.s32 $0x8;
	[sflag:s20] =	ssyncadd.s32 $0xFFFFFFD8  }
0x9e: {  	_ =	swait.ge [sflag:s22], $0x1400  }
0x9f: {  	[sflag:s22] =	ssyncset.done $0x0  }
0xa0: {  	[sflag:s22] =	ssyncadd.s32 $0xFFFFEC00  }
0xa1: {  	_ =	swait.ge [sflag:s11], $0x28  }
0xa2: {  	[sflag:s11] =	ssyncset.done $0x0  }
0xa3: {  	[sflag:s11] =	ssyncadd.s32 $0xFFFFFFD8  }
0xa4: {  	_ =	swait.ge [sflag:s12], $0x1400  }
0xa5: {  	[sflag:s12] =	ssyncset.done $0x0  }
0xa6: {  	[sflag:s12] =	ssyncadd.s32 $0xFFFFEC00  }
0xa7: {  	_ =	swait.ge [sflag:s15], $0x28  }
0xa8: {  	[sflag:s15] =	ssyncset.done $0x0  }
0xa9: {  	[sflag:s15] =	ssyncadd.s32 $0xFFFFFFD8  }
0xaa: {  	[bflag:$0x0] =	sbarrier.arrive $0xFFFF  }
0xab: {  	s23 =	rddreg [dreg:$0xd]  }
0xac: {  	[hbm:s23], [sflag:s17] =	dma.local [spmem:s19], $0x2780  }
0xad: {  	_ =	swait.ge [sflag:s21], $0x2780  }
0xae: {  	s8 =	simm.s32 $0x20;
	[sflag:s21] =	ssyncset.done $0x0  }
0xaf: {  	s9 =	simm.s32 $0x10;
	s24 =	rddreg [dreg:$0xe];
	[sflag:s21] =	ssyncadd.s32 $0xFFFFD880  }
0xb0: {  	[hbm:s24@s8], [sflag:s17] =	dma.strided [spmem:s18@s9], $0x50, s31, $0x10   }
0xb1: {  	_ =	swait.ge [sflag:s21], $0x50  }
0xb2: {  	s16 =	sadd.s32 $0x1, s16;
	s25 =	rddreg [dreg:$0xf]  }
0xb3: {  	p0 =	sne.s32 s16, s25  }
.Ltmp1:
0xb4: {  	_ = 	snop;
	(pc) =	sbr.rel @p0 .LBB2_1-.Ltmp1, $3  }
0xb5: {  	_ =	sdelay $0x1  }
0xb6: {  	[sflag:s21] =	ssyncset.done $0x0  }
0xb7: {  	[sflag:s21] =	ssyncadd.s32 $0xFFFFFFB0  }
0xb8: {  	_ =	sfence.sel $0x180000  }
0xb9: {  	[bflag:$0x0] =	sbarrier.arrive $0xFFFF  }
0xba: {  	_ =	strace $0x90000047  }
0xbb: {  	s0 =	stileid.u32;
	[bflag:$0x2] =	sbarrier.arrive $0xFFFF  }
0xbc: {  	p0 =	sne.s32 s0, $0x0;
	s0 =	rddreg [dreg:$0x4]  }
0xbd: {  	s0 =	sadd.s32 @!p0 $0x100000, s0  }
0xbe: {  	[sflag:s0] =	ssyncadd.tile.s32 @!p0 $0x1;
	_ =	shalt  }
.Lfunc_end2:
_tile_overlayer_lowered:
.L_overlay_start_2:
0xbf: {  	(tag) =	ssettag $0x2  }
0xc0: {  	s0 =	rddreg [dreg:$0x0];
	s2 =	stileid.u32  }
0xc1: {  	s1 =	rddreg [dreg:$0x1];
	p0 =	sne.s32 s2, $0x0  }
0xc2: {  	s3 =	rddreg [dreg:$0x2];
	[bflag:$0x3] =	sbarrier.arrive $0xFFFF;
	s2 =	simm.s32 @!p0 $0x1C0D  }
0xc3: {  	[timem:s3], [sflag:s2] =	dma.local @!p0 [hbm:s0], s1  }
0xc4: {  	s0 =	simm.s32 @!p0 $0xD  }
0xc5: {  	_ =	swait.ge @!p0 [sflag:s0], s1  }
0xc6: {  	s1 =	ssub.s32 @!p0 $0x0, s1;
	[sflag:s0] =	ssyncset.done @!p0 $0x0  }
0xc7: {  	[sflag:s0] =	ssyncadd.s32 @!p0 s1  }
0xc8: {  	[bflag:$0x3] =	sbarrier.arrive $0xFFFF  }
0xc9: {  	_ =	shalt  }

// kernel: kernel.9.cloned.1.call-start
scs
__scs_entry_jumppad:
0x0: {  	(pc) =	sbr.rel $0x88, $3  }
0x1: {  	(tag) =	ssettag $0x0;
	lr =	simm.s32 $0x1  }
0x2: {  	[smem:$0x3F99] =	sst lr;
	_ =	strace $0xD0000000  }
0x3: {  	_ = 	snop  }
0x4: {  	_ = 	snop  }
0x5: {  	_ = 	snop  }
0x6: {  	_ = 	snop  }
0x7: {  	_ = 	snop  }
__scs_overlays_trampoline_lowered:
0x8: {  	[smem:$0x3FA8] =	sst s0  }
0x9: {  	[smem:$0x3FA9] =	sst s1  }
0xa: {  	[smem:$0x3FAA] =	sst s2  }
0xb: {  	[smem:$0x3FAB] =	sst s3  }
0xc: {  	[smem:$0x3FAC] =	sst s4  }
0xd: {  	[smem:$0x3FAD] =	sst s5  }
0xe: {  	[smem:$0x3FAE] =	sst s6  }
0xf: {  	[smem:$0x3FAF] =	sst s7  }
0x10: {  	[smem:$0x3FB0] =	sst s8  }
0x11: {  	[smem:$0x3FB1] =	sst s9;
	s0 =	simm.s32 @!p0 $0x0  }
0x12: {  	s1 =	sld [smem:$0x3F97];
	s0 =	simm.s32 @p0 $0x1  }
0x13: {  	[smem:$0x3FB2] =	sst s0;
	s0 =	simm.s32 @!p1 $0x0  }
0x14: {  	s2 =	sld [smem:$0x3F96];
	s0 =	simm.s32 @p1 $0x1  }
0x15: {  	[smem:$0x3FB3] =	sst s0;
	s0 =	simm.s32 @!p2 $0x0  }
0x16: {  	s3 =	sld [smem:$0x3FDB];
	s0 =	simm.s32 @p2 $0x1  }
0x17: {  	s4 =	simm.s32 $0x1BF5;
	[smem:$0x3FB5] =	sst s0  }
0x18: {  	s0 =	sld [smem:$0x3F98];
	_ =	swait.ge [sflag:s4], $0x0  }
0x19: {  	s7 =	sld [smem:$0x3F99]  }
0x1a: {  	s8 =	sadd.s32 $0xFFFFE003, lr  }
0x1b: {  	s9 =	sadd.s32 $0xFFFFFEF7, lr;
	s5 =	simm.s32 $0xFFFFFFFF;
	p2 =	slt.u32 s8, $0xFFFFF086  }
0x1c: {  	p1 =	slt.u32 s9, $0xF7A;
	s5 =	simm.s32 @!p2 $0x0  }
0x1d: {  	s5 =	simm.s32 @p1 $0x1;
	p0 =	seq.s32 s7, s2  }
0x1e: {  	s7 =	smul.u32 @!p0 $0xF7A, s2;
	p2 =	seq.s32 @!p0 s5, $0x0  }
0x1f: {  	s9 =	smul.u32 $0xF7A, s1;
	s8 =	simm.s32 @!p0 $0x1BF5;
	p2 =	por !p2, p0  }
0x20: {  	[sflag:s8] =	ssyncset.s32 @!p0 $0xFFFFF086;
	s6 =	sadd.s32 @!p0 s3, s7;
	s7 =	simm.s32 @!p0 $0x108  }
0x21: {  	s3 =	sadd.s32 s3, s9;
	s6 =	sadd.s32 @!p0 $0x88, s6;
	s7 =	simm.s32 @p2 $0x1082  }
0x22: {  	[simem:s7], [sflag:s8] =	dma.local @!p0 [hbm:s6], $0xF7A  }
0x23: {  	s9 =	sor.u32 $0xD0000000, s2;
	s6 =	simm.s32 $0x108;
	_ =	swait.ge @!p0 [sflag:s8], $0x0  }
0x24: {  	s3 =	sadd.s32 $0x88, s3;
	s6 =	simm.s32 @!p1 $0x1082;
	[sflag:s4] =	ssyncset.s32 $0xFFFFF086  }
0x25: {  	[simem:s6], [sflag:s4] =	dma.local [hbm:s3], $0xF7A  }
0x26: {  	[smem:$0x3F99] =	sst s1;
	(tag) =	ssettag s2;
	_ =	strace s9  }
0x27: {  	s1 =	sld [smem:$0x3FA9]  }
0x28: {  	s2 =	sld [smem:$0x3FAA]  }
0x29: {  	s4 =	sld [smem:$0x3FAC]  }
0x2a: {  	p0 =	seq.s32 s5, $0x0;
	s5 =	sld [smem:$0x3FAD]  }
0x2b: {  	s6 =	sld [smem:$0x3FAE]  }
0x2c: {  	s7 =	sld [smem:$0x3FAF]  }
0x2d: {  	s3 =	simm.s32 $0x108;
	s8 =	sld [smem:$0x3FB0]  }
0x2e: {  	s3 =	simm.s32 @!p0 $0x1082;
	s9 =	sld [smem:$0x3FB1]  }
0x2f: {  	lr =	sadd.s32 s0, s3;
	s0 =	sld [smem:$0x3FA8]  }
0x30: {  	s3 =	sld [smem:$0x3FAB]  }
0x31: {  	[smem:$0x3FB4] =	sst s10  }
0x32: {  	s10 =	sld [smem:$0x3FB2];
	_ =	sdelay $0x3  }
0x33: {  	p0 =	seq.s32 s10, $0x1;
	s10 =	sld [smem:$0x3FB4];
	_ =	sdelay $0x3  }
0x34: {  	[smem:$0x3FB4] =	sst s10  }
0x35: {  	s10 =	sld [smem:$0x3FB3];
	_ =	sdelay $0x3  }
0x36: {  	p1 =	seq.s32 s10, $0x1;
	s10 =	sld [smem:$0x3FB4];
	_ =	sdelay $0x3  }
0x37: {  	[smem:$0x3FB4] =	sst s10  }
0x38: {  	s10 =	sld [smem:$0x3FB5]  }
0x39: {  	_ = 	snop;
	(pc) =	sbr.ind lr, $3  }
0x3a: {  	_ = 	snop  }
0x3b: {  	_ = 	snop  }
0x3c: {  	p2 =	seq.s32 s10, $0x1;
	s10 =	sld [smem:$0x3FB4]  }
0x3d: {  	_ =	shalt  }
0x3e: {  	_ =	shalt  }
0x3f: {  	_ =	shalt  }
0x40: {  	_ =	shalt  }
0x41: {  	_ =	shalt  }
0x42: {  	_ =	shalt  }
0x43: {  	_ =	shalt  }
0x44: {  	_ =	shalt  }
0x45: {  	_ =	shalt  }
0x46: {  	_ =	shalt  }
0x47: {  	_ =	shalt  }
0x48: {  	_ =	shalt  }
0x49: {  	_ =	shalt  }
0x4a: {  	_ =	shalt  }
0x4b: {  	_ =	shalt  }
0x4c: {  	_ =	shalt  }
0x4d: {  	_ =	shalt  }
0x4e: {  	_ =	shalt  }
0x4f: {  	_ =	shalt  }
0x50: {  	_ =	shalt  }
0x51: {  	_ =	shalt  }
0x52: {  	_ =	shalt  }
0x53: {  	_ =	shalt  }
0x54: {  	_ =	shalt  }
0x55: {  	_ =	shalt  }
0x56: {  	_ =	shalt  }
0x57: {  	_ =	shalt  }
0x58: {  	_ =	shalt  }
0x59: {  	_ =	shalt  }
0x5a: {  	_ =	shalt  }
0x5b: {  	_ =	shalt  }
0x5c: {  	_ =	shalt  }
0x5d: {  	_ =	shalt  }
0x5e: {  	_ =	shalt  }
0x5f: {  	_ =	shalt  }
0x60: {  	_ =	shalt  }
0x61: {  	_ =	shalt  }
0x62: {  	_ =	shalt  }
0x63: {  	_ =	shalt  }
0x64: {  	_ =	shalt  }
0x65: {  	_ =	shalt  }
0x66: {  	_ =	shalt  }
0x67: {  	_ =	shalt  }
0x68: {  	_ =	shalt  }
0x69: {  	_ =	shalt  }
0x6a: {  	_ =	shalt  }
0x6b: {  	_ =	shalt  }
0x6c: {  	_ =	shalt  }
0x6d: {  	_ =	shalt  }
0x6e: {  	_ =	shalt  }
0x6f: {  	_ =	shalt  }
0x70: {  	_ =	shalt  }
0x71: {  	_ =	shalt  }
0x72: {  	_ =	shalt  }
0x73: {  	_ =	shalt  }
0x74: {  	_ =	shalt  }
0x75: {  	_ =	shalt  }
0x76: {  	_ =	shalt  }
0x77: {  	_ =	shalt  }
0x78: {  	_ =	shalt  }
0x79: {  	_ =	shalt  }
0x7a: {  	_ =	shalt  }
0x7b: {  	_ =	shalt  }
0x7c: {  	_ =	shalt  }
0x7d: {  	_ =	shalt  }
0x7e: {  	_ =	shalt  }
0x7f: {  	_ =	shalt  }
0x80: {  	_ =	shalt  }
0x81: {  	_ =	shalt  }
0x82: {  	_ =	shalt  }
0x83: {  	_ =	shalt  }
0x84: {  	_ =	shalt  }
0x85: {  	_ =	shalt  }
0x86: {  	_ =	shalt  }
0x87: {  	_ =	shalt  }
.Lfunc_end0:
.L_simem_size_0:
called_computation.1_lowered:
.L_overlay_start_0:
0x88: {  	s2 =	sld [smem:$0x3FD9]  }
0x89: {  	s3 =	sld [smem:$0x3FFE];
	_ =	sdelay $0x1  }
0x8a: {  	s1 =	srdreg.scid  }
0x8b: {  	s0 =	sand.u32 $0x1, s1  }
0x8c: {  	s17 =	sshll.u32 s0, $0xA;
	s2 =	sadd.s32 s3, s2  }
0x8d: {  	s2 =	sadd.s32 s2, s17  }
0x8e: {  	[smem:$0x3FC0] =	sst s2  }
0x8f: {  	_ = 	snop  }
0x90: {  	s2 =	sld [smem:$0x3FD0];
	(tm) =	ssettm $0x1  }
0x91: {  	s18 =	sld [smem:$0x3FFB];
	_ =	sdelay $0x3  }
0x92: {  	_ =	strace s18  }
0x93: {  	s3 =	sld [smem:$0x3FFC];
	_ =	sdelay $0x3  }
0x94: {  	_ =	strace s3  }
0x95: {  	s3 =	sld [smem:$0x3FFD];
	_ =	sdelay $0x3  }
0x96: {  	_ =	strace s3  }
0x97: {  	_ =	strace $0x8FFFFFFF  }
0x98: {  	s19 =	sld [smem:$0x3FDB];
	_ =	sdelay $0x1  }
0x99: {  	s4 =	simm.s32 $_scs_section_size  }
0x9a: {  	s5 =	simm.s32 $_size__tile_overlayer_lowered;
	s6 =	simm.s32 $_tile_overlayer_lowered  }
0x9b: {  	s22 =	simm.s32 $0x1BFF;
	s21 =	sshll.u32 s6, $0x1;
	s3 =	sadd.s32 s4, s19  }
0x9c: {  	s7 =	simm.s32 $0x0;
	s20 =	sshll.u32 s5, $0x1;
	s5 =	sadd.s32 s21, s3  }
0x9d: {  	[timem:s7], [sflag:s22] =	dma.local [hbm:s5], s20  }
0x9e: {  	_ =	swait.ge [sflag:s22], s20  }
0x9f: {  	s4 =	ssub.s32 $0x0, s20;
	[sflag:s22] =	ssyncset.done $0x0  }
0xa0: {  	[sflag:s22] =	ssyncadd.s32 s4;
	_ =	sdelay $0x1  }
0xa1: {  	s23 =	simm.s32 $0x1B8B  }
0xa2: {  	_ =	swait.ge [sflag:s23], $0x1  }
0xa3: {  	[sflag:s23] =	ssyncset.done $0x0  }
0xa4: {  	s25 =	simm.s32 $0x1B8E;
	s24 =	sld [smem:$0x3FFE];
	[sflag:s23] =	ssyncadd.s32 $0xFFFFFFFF  }
0xa5: {  	s26 =	simm.s32 $execute0_lowered;
	[smem:$0x3FD2] =	sst s25  }
0xa6: {  	s5 =	sshll.u32 s26, $0x1;
	_ =	strace $0x80000049;
	[dreg:$0x1] =	wrdreg $0xFFFFFFFF  }
0xa7: {  	s28 =	simm.s32 $_size_execute0_lowered;
	s3 =	sadd.s32 s3, s5;
	[dreg:$0x0] =	wrdreg $0x0  }
0xa8: {  	s5 =	sshll.u32 s28, $0x1;
	[dreg:$0x2] =	wrdreg s3  }
0xa9: {  	[dreg:$0x3] =	wrdreg s5  }
0xaa: {  	[dreg:$0x4] =	wrdreg $0xC0  }
0xab: {  	_ =	task [dreg:s7], $0x5FFFF  }
0xac: {  	[dreg:$0x1] =	wrdreg $0xFFFFFFFF  }
0xad: {  	[dreg:$0x0] =	wrdreg $0x60  }
0xae: {  	[dreg:$0x2] =	wrdreg s24  }
0xaf: {  	[dreg:$0x3] =	wrdreg s2  }
0xb0: {  	[dreg:$0x4] =	wrdreg $0x0  }
0xb1: {  	[dreg:$0x5] =	wrdreg $0x9  }
0xb2: {  	_ =	task.clear_ibuf [dreg:s7], $0x6FFFF;
	_ =	strace $0x90000049  }
0xb3: {  	s29 =	simm.s32 $0x9;
	_ =	strace $0x8000004B  }
0xb4: {  	_ =	swait.ge [sflag:s29], $0x1  }
0xb5: {  	[sflag:s29] =	ssyncadd.s32 $0xFFFFFFFF  }
0xb6: {  	_ =	strace $0x9000004B  }
0xb7: {  	_ =	sfence  }
0xb8: {  	s30 =	sld [smem:$0x0];
	_ =	sdelay $0x2  }
0xb9: {  	s31 =	sshll.u32 s1, $0xD;
	s1 =	sshrl.u32 s1, $0x2  }
0xba: {  	s3 =	sand.u32 $0x4000, s31;
	s1 =	sadd.s32 s1, s30  }
0xbb: {  	s0 =	sor.u32 s3, s0;
	s1 =	sshll.u32 s1, $0x11  }
0xbc: {  	s0 =	sor.u32 s1, s0  }
0xbd: {  	s0 =	sadd.s32 $0x8F2B, s0  }
0xbe: {  	[sflag:s0] =	ssyncadd.remote.s32 $0x1  }
0xbf: {  	_ =	sfence.sel $0xFFFF  }
0xc0: {  	[dreg:$0x0] =	wrdreg $0xFFFFFFFF;
	(pc) =	sbr.abs _section_cstart, $3  }
0xc1: {  	[dreg:$0x1] =	wrdreg $0xFFFFFFFF  }
0xc2: {  	_ =	task.clear_ibuf [dreg:s7], $0x2FFFF;
	_ =	strace $0x9FFFFFFF  }
0xc3: {  	(tm) =	ssettm $0x7FFFFFFF  }
tec
execute0_lowered:
.L_overlay_start_1:
0x0: {  	(tag) =	ssettag $0x1  }
0x1: {  	s0 =	rddreg [dreg:$0x0]  }
0x2: {  	s1 =	rddreg [dreg:$0x1]  }
0x3: {  	s3 =	srdreg.scid;
	s2 =	rddreg [dreg:$0x2]  }
0x4: {  	s12 =	stileid.u32;
	s15 =	simm.s32 $0xA;
	s28 =	simm.s32 $0x9  }
0x5: {  	s29 =	simm.s32 $0x0;
	s7 =	sand.u32 $0x1, s3;
	s6 =	smul.u32 $0x13C00, s12  }
0x6: {  	s3 =	simm.s32 $0x0;
	s4 =	sadd.s32 $0x22200, s0;
	s11 =	smul.u32 $0x4F000, s12  }
0x7: {  	s10 =	sshll.u32 s12, $0xF;
	s16 =	sshll.u32 s12, $0x6;
	s5 =	smul.u32 $0x13C000, s7  }
0x8: {  	[smem:$0x7FF] =	sst s3;
	s9 =	sshll.u32 s7, $0x13;
	s21 =	ssub.s32 $0x2, s7  }
0x9: {  	s16 =	sor.u32 $0x1C0A, s16;
	_ =	strace $0x8000004A;
	s7 =	sor.u32 s10, s9  }
0xa: {  	s22 =	sshrl.u32 s21, $0x1;
	s11 =	sshrl.u32 s11, $0x2;
	s8 =	sadd.s32 s6, s5  }
0xb: {  	s5 =	sadd.s32 $0x2200, s0;
	s6 =	sadd.s32 $0x49E00, s0;
	s10 =	sshrl.u32 s7, $0x3  }
0xc: {  	s9 =	ssub.s32 s21, s22;
	s17 =	sadd.s32 s11, s2;
	s22 =	simm.s32 $0x1BC00  }
0xd: {  	s8 =	sshrl.u32 s8, $0x3;
	s23 =	sadd.s32 s5, s10;
	s1 =	sadd.s32 s1, s10  }
0xe: {  	s24 =	sadd.s32 $0x10000, s17;
	s26 =	smax.u32 s9, $0x1;
	s30 =	sadd.s32 $0x4000, s17  }
0xf: {  	s31 =	sadd.s32 $0x8000, s17;
	s20 =	sadd.s32 $0xC000, s17;
	[dreg:$0x5] =	wrdreg s1  }
0x10: {  	s17 =	sshrl.u32 s17, $0x3;
	s0 =	sadd.s32 s8, s0;
	[dreg:$0x4] =	wrdreg s23  }
0x11: {  	s25 =	sadd.s32 $0x10, s23;
	s8 =	sadd.s32 $0x20, s23;
	[dreg:$0x9] =	wrdreg s26  }
0x12: {  	s19 =	sshrl.u32 s31, $0x3;
	s20 =	sshrl.u32 s20, $0x3;
	s21 =	sshrl.u32 s24, $0x3  }
0x13: {  	s23 =	simm.s32 $0x28;
	s24 =	simm.s32 $0x1BD80;
	[dreg:$0x6] =	wrdreg s25  }
0x14: {  	s1 =	simm.s32 $0x4;
	[dreg:$0x7] =	wrdreg s8;
	s0 =	sadd.s32 $0x4A600, s0  }
0x15: {  	s26 =	simm.s32 $0x8;
	[dreg:$0x8] =	wrdreg s0;
	s0 =	sshrl.u32 s30, $0x3  }
0x16: {  	s25 =	simm.s32 $0x7;
	[dreg:$0xa] =	wrdreg s0;
	s0 =	simm.s32 $0x1  }
.LBB2_1:
0x17: {  	s8 =	rddreg [dreg:$0x5];
	s9 =	simm.s32 $0x13C00  }
0x18: {  	[tilespmem:s9], [sflag:$0xA] =	stream.linear.gather [hbm4b:s8+s3], $0x7D00, $0x38;
	[tilespmem:$0x1F980] =	vst v63  }
0x19: {  	_ =	swait.ge [sflag:s15], $0x7D00  }
0x1a: {  	[sflag:s15] =	ssyncset.done $0x0  }
0x1b: {  	[sflag:s15] =	ssyncadd.s32 $0xFFFF8300  }
0x1c: {  	[spmem:s17], [sflag:s16] =	dma.local [hbm:s6], $0x800  }
0x1d: {  	_ =	swait.ge [sflag:s15], $0x800  }
0x1e: {  	[sflag:s15] =	ssyncset.done $0x0  }
0x1f: {  	s12 =	rddreg [dreg:$0xa];
	[sflag:s15] =	ssyncadd.s32 $0xFFFFF800  }
0x20: {  	[spmem:s12], [sflag:s16] =	dma.local [hbm:s6], $0x800  }
0x21: {  	_ =	swait.ge [sflag:s15], $0x800  }
0x22: {  	[sflag:s15] =	ssyncset.done $0x0  }
0x23: {  	[sflag:s15] =	ssyncadd.s32 $0xFFFFF800  }
0x24: {  	[spmem:s19], [sflag:s16] =	dma.local [hbm:s6], $0x800  }
0x25: {  	_ =	swait.ge [sflag:s15], $0x800  }
0x26: {  	[sflag:s15] =	ssyncset.done $0x0  }
0x27: {  	[sflag:s15] =	ssyncadd.s32 $0xFFFFF800  }
0x28: {  	[spmem:s20], [sflag:s16] =	dma.local [hbm:s6], $0x800  }
0x29: {  	_ =	swait.ge [sflag:s15], $0x800  }
0x2a: {  	[sflag:s15] =	ssyncset.done $0x0  }
0x2b: {  	[sflag:s15] =	ssyncadd.s32 $0xFFFFF800  }
0x2c: {  	[spmem:s21], [sflag:s16] =	dma.local [hbm:s6], $0x780  }
0x2d: {  	_ =	swait.ge [sflag:s15], $0x780  }
0x2e: {  	[sflag:s15] =	ssyncset.done $0x0  }
0x2f: {  	[sflag:s15] =	ssyncadd.s32 $0xFFFFF880  }
0x30: {  	[bflag:$0x0] =	sbarrier.arrive $0xFFFF  }
0x31: {  	s13 =	rddreg [dreg:$0x4]  }
0x32: {  	[tilespmem:s22], [sflag:$0x4] =	stream.linear.gather [hbm4b:s13+s3], $0x80, $0x38;
	[tilespmem:$0x1F980] =	vst v63  }
0x33: {  	_ = 	snop  }
0x34: {  	[tilespmem:s24], [sflag:$0x1] =	stream.indirect.gather [hbm4b:s4+s23], $0x80, s9, s23, $0xb8;
	[tilespmem:$0x1F980] =	vst v63  }
0x35: {  	s18 =	simm.s32 $0x1BC80;
	s14 =	rddreg [dreg:$0x6]  }
0x36: {  	[tilespmem:s18], [sflag:$0x5] =	stream.linear.gather [hbm4b:s14+s3], $0x80, $0x38;
	[tilespmem:$0x1F980] =	vst v63  }
0x37: {  	s10 =	simm.s32 $0x13C80;
	s11 =	simm.s32 $0x1D180;
	s30 =	simm.s32 $0x280  }
0x38: {  	[tilespmem:s11], [sflag:$0x2] =	stream.indirect.gather [hbm4b:s4+s23], $0x80, s10, s23, $0xb8;
	[tilespmem:$0x1F980] =	vst v63  }
0x39: {  	s31 =	simm.s32 $0x13E80;
	s12 =	rddreg [dreg:$0x7];
	s13 =	simm.s32 $0x1BD00  }
0x3a: {  	[tilespmem:s13], [sflag:$0x6] =	stream.linear.gather [hbm4b:s12+s3], $0x80, $0x38;
	[tilespmem:$0x1F980] =	vst v63  }
0x3b: {  	s9 =	simm.s32 $0x0;
	s14 =	simm.s32 $0x13D00;
	s18 =	simm.s32 $0x1E580  }
0x3c: {  	[tilespmem:s18], [sflag:$0x3] =	stream.indirect.gather [hbm4b:s4+s23], $0x80, s14, s23, $0xb8;
	[tilespmem:$0x1F980] =	vst v63  }
.LBB2_2:
0x3d: {  	_ =	swait.ge [sflag:s0], $0x1400  }
0x3e: {  	[sflag:s0] =	ssyncset.done $0x0  }
0x3f: {  	p0 =	seq.s32 s30, $0x7F00;
	[sflag:s0] =	ssyncadd.s32 $0xFFFFEC00  }
0x40: {  	s10 =	sadd.s32 @!p0 $0xFFFFFF00, s30;
	_ =	swait.ge [sflag:s1], $0x80  }
0x41: {  	s11 =	simm.s32 @!p0 $0x7;
	s12 =	sand.u32 @!p0 $0x1FC00, s10;
	[sflag:s1] =	ssyncset.done $0x0  }
0x42: {  	s10 =	sand.u32 @!p0 $0x380, s10;
	s12 =	sadd.s32 @!p0 s7, s12;
	[sflag:s1] =	ssyncadd.s32 $0xFFFFFF80  }
0x43: {  	[spmem:s2] =	stream.indirect.scatter.add.f32 [tilespmem:s24], [sflag:$0x7], $0x80, s22, s23, $0xb8;
	[tilespmem:$0x1F980] =	vst v63  }
0x44: {  	s10 =	sor.u32 @!p0 s10, s12;
	_ =	swait.ge @!p0 [sflag:s11], $0x1400  }
0x45: {  	s12 =	simm.s32 @!p0 $0x1BC00;
	s10 =	sshrl.u32 @!p0 s10, $0x3;
	[sflag:s11] =	ssyncset.done @!p0 $0x0  }
0x46: {  	s10 =	sadd.s32 @!p0 s5, s10;
	[sflag:s11] =	ssyncadd.s32 @!p0 $0xFFFFEC00;
	s11 =	simm.s32 @!p0 $0x0  }
0x47: {  	[tilespmem:s12], [sflag:$0x4] =	stream.linear.gather @!p0 [hbm4b:s10+s11], $0x80, $0x38;
	[tilespmem:$0x1F980] =	vst v63  }
0x48: {  	s10 =	sadd.s32 @!p0 $0xFFFFFF00, s31;
	s11 =	simm.s32 @!p0 $0x28;
	s12 =	simm.s32 @!p0 $0x1BD80  }
0x49: {  	[tilespmem:s12], [sflag:$0x1] =	stream.indirect.gather @!p0 [hbm4b:s4+s11], $0x80, s10, s11, $0xb8;
	[tilespmem:$0x1F980] =	vst v63  }
0x4a: {  	s10 =	simm.s32 @!p0 $0x2  }
0x4b: {  	_ =	swait.ge @!p0 [sflag:s10], $0x1400  }
0x4c: {  	[sflag:s10] =	ssyncset.done @!p0 $0x0  }
0x4d: {  	[sflag:s10] =	ssyncadd.s32 @!p0 $0xFFFFEC00;
	s10 =	simm.s32 @!p0 $0x5  }
0x4e: {  	p1 =	sgt.u32 @!p0 s9, $0x51;
	_ =	swait.ge @!p0 [sflag:s10], $0x80  }
0x4f: {  	p2 =	por !p1, p0;
	[sflag:s10] =	ssyncset.done @!p0 $0x0  }
0x50: {  	s12 =	simm.s32 @!p0 $0x1D180;
	[sflag:s10] =	ssyncadd.s32 @!p0 $0xFFFFFF80;
	s10 =	simm.s32 @!p0 $0x1BC80  }
0x51: {  	[spmem:s2] =	stream.indirect.scatter.add.f32 @!p0 [tilespmem:s12], [sflag:$0x8], $0x80, s10, s11, $0xb8;
	[tilespmem:$0x1F980] =	vst v63  }
0x52: {  	s10 =	simm.s32 @!p2 $0x3  }
0x53: {  	_ =	swait.ge @!p2 [sflag:s10], $0x1400  }
0x54: {  	[sflag:s10] =	ssyncset.done @!p2 $0x0  }
0x55: {  	[sflag:s10] =	ssyncadd.s32 @!p2 $0xFFFFEC00;
	s10 =	simm.s32 @!p2 $0x6  }
0x56: {  	_ =	swait.ge @!p2 [sflag:s10], $0x80  }
0x57: {  	p1 =	por p1, p0;
	s11 =	simm.s32 @!p2 $0x1BD00;
	[sflag:s10] =	ssyncset.done @!p2 $0x0  }
0x58: {  	s12 =	simm.s32 @!p2 $0x1E580;
	[sflag:s10] =	ssyncadd.s32 @!p2 $0xFFFFFF80;
	s10 =	simm.s32 @!p2 $0x28  }
0x59: {  	[spmem:s2] =	stream.indirect.scatter.add.f32 @!p2 [tilespmem:s12], [sflag:$0x9], $0x80, s11, s10, $0xb8;
	[tilespmem:$0x1F980] =	vst v63  }
0x5a: {  	s10 =	sadd.s32 @!p1 $0xFFFFFF80, s30  }
0x5b: {  	s11 =	simm.s32 @!p1 $0x8;
	s12 =	sand.u32 @!p1 $0x1FC00, s10  }
0x5c: {  	_ =	swait.ge @!p1 [sflag:s11], $0x1400;
	s10 =	sand.u32 @!p1 $0x380, s10;
	s12 =	sadd.s32 @!p1 s7, s12  }
0x5d: {  	[sflag:s11] =	ssyncset.done @!p1 $0x0;
	s10 =	sor.u32 @!p1 s10, s12  }
0x5e: {  	[sflag:s11] =	ssyncadd.s32 @!p1 $0xFFFFEC00;
	s10 =	sshrl.u32 @!p1 s10, $0x3  }
0x5f: {  	s11 =	simm.s32 @!p1 $0x0;
	s12 =	simm.s32 @!p1 $0x1BC80;
	s10 =	sadd.s32 @!p1 s5, s10  }
0x60: {  	[tilespmem:s12], [sflag:$0x5] =	stream.linear.gather @!p1 [hbm4b:s10+s11], $0x80, $0x38;
	[tilespmem:$0x1F980] =	vst v63  }
0x61: {  	s13 =	simm.s32 @!p1 $0x1D180;
	s10 =	sadd.s32 @!p1 $0xFFFFFF80, s31;
	s12 =	simm.s32 @!p1 $0x28  }
0x62: {  	[tilespmem:s13], [sflag:$0x2] =	stream.indirect.gather @!p1 [hbm4b:s4+s12], $0x80, s10, s12, $0xb8;
	[tilespmem:$0x1F980] =	vst v63  }
0x63: {  	s10 =	simm.s32 @!p1 $0x3  }
0x64: {  	_ =	swait.ge @!p1 [sflag:s10], $0x1400  }
0x65: {  	[sflag:s10] =	ssyncset.done @!p1 $0x0  }
0x66: {  	[sflag:s10] =	ssyncadd.s32 @!p1 $0xFFFFEC00;
	s10 =	simm.s32 @!p1 $0x6  }
0x67: {  	s14 =	sand.u32 @!p1 $0x1FC00, s30;
	s8 =	simm.s32 @!p1 $0x9;
	_ =	swait.ge @!p1 [sflag:s10], $0x80  }
0x68: {  	s18 =	sand.u32 @!p1 $0x380, s30;
	s14 =	sadd.s32 @!p1 s7, s14;
	[sflag:s10] =	ssyncset.done @!p1 $0x0  }
0x69: {  	s13 =	simm.s32 @!p1 $0x1E580;
	[sflag:s10] =	ssyncadd.s32 @!p1 $0xFFFFFF80;
	s10 =	simm.s32 @!p1 $0x1BD00  }
0x6a: {  	[spmem:s2] =	stream.indirect.scatter.add.f32 @!p1 [tilespmem:s13], [sflag:$0x9], $0x80, s10, s12, $0xb8;
	[tilespmem:$0x1F980] =	vst v63  }
0x6b: {  	s14 =	sor.u32 @!p1 s18, s14;
	_ =	swait.ge @!p1 [sflag:s8], $0x1400  }
0x6c: {  	s14 =	sshrl.u32 @!p1 s14, $0x3;
	[sflag:s8] =	ssyncset.done @!p1 $0x0  }
0x6d: {  	[sflag:s8] =	ssyncadd.s32 @!p1 $0xFFFFEC00;
	s8 =	sadd.s32 @!p1 s5, s14  }
0x6e: {  	[tilespmem:s10], [sflag:$0x6] =	stream.linear.gather @!p1 [hbm4b:s8+s11], $0x80, $0x38;
	[tilespmem:$0x1F980] =	vst v63  }
0x6f: {  	s30 =	sadd.s32 @!p0 $0x180, s30  }
0x70: {  	[tilespmem:s13], [sflag:$0x3] =	stream.indirect.gather @!p1 [hbm4b:s4+s12], $0x80, s31, s12, $0xb8;
	[tilespmem:$0x1F980] =	vst v63  }
0x71: {  	p1 =	sne.s32 @!p0 s30, $0x8080  }
0x72: {  	p1 =	por p0, !p1  }
.Ltmp0:
0x73: {  	_ = 	snop;
	(pc) =	sbr.rel @!p1 .LBB2_2-.Ltmp0, $2  }
0x74: {  	_ =	sdelay $0x2  }
0x75: {  	s9 =	sadd.s32 @!p0 $0x1, s9;
	s31 =	sadd.s32 @!p0 $0x180, s31  }
0x76: {  	_ =	swait.ge [sflag:s25], $0x1400  }
0x77: {  	[sflag:s25] =	ssyncset.done $0x0  }
0x78: {  	[sflag:s25] =	ssyncadd.s32 $0xFFFFEC00  }
0x79: {  	_ =	swait.ge [sflag:s26], $0x1400  }
0x7a: {  	[sflag:s26] =	ssyncset.done $0x0  }
0x7b: {  	[sflag:s26] =	ssyncadd.s32 $0xFFFFEC00  }
0x7c: {  	_ =	swait.ge [sflag:s28], $0x1400  }
0x7d: {  	[sflag:s28] =	ssyncset.done $0x0  }
0x7e: {  	[sflag:s28] =	ssyncadd.s32 $0xFFFFEC00  }
0x7f: {  	[bflag:$0x0] =	sbarrier.arrive $0xFFFF  }
0x80: {  	s8 =	rddreg [dreg:$0x8]  }
0x81: {  	[hbm:s8], [sflag:s16] =	dma.local [spmem:s17], $0x2780  }
0x82: {  	_ =	swait.ge [sflag:s15], $0x2780  }
0x83: {  	s29 =	sadd.s32 $0x1, s29;
	s31 =	rddreg [dreg:$0x9]  }
0x84: {  	p0 =	sne.s32 s29, s31  }
.Ltmp1:
0x85: {  	_ = 	snop;
	(pc) =	sbr.rel @p0 .LBB2_1-.Ltmp1, $3  }
0x86: {  	_ =	sdelay $0x1  }
0x87: {  	[sflag:s15] =	ssyncset.done $0x0  }
0x88: {  	[sflag:s15] =	ssyncadd.s32 $0xFFFFD880  }
0x89: {  	_ =	sfence.sel $0x180000  }
0x8a: {  	[bflag:$0x0] =	sbarrier.arrive $0xFFFF  }
0x8b: {  	_ =	strace $0x9000004A  }
0x8c: {  	s0 =	stileid.u32;
	[bflag:$0x2] =	sbarrier.arrive $0xFFFF  }
0x8d: {  	p0 =	sne.s32 s0, $0x0;
	s0 =	rddreg [dreg:$0x3]  }
0x8e: {  	s0 =	sadd.s32 @!p0 $0x100000, s0  }
0x8f: {  	[sflag:s0] =	ssyncadd.tile.s32 @!p0 $0x1;
	_ =	shalt  }
.Lfunc_end2:
_tile_overlayer_lowered:
.L_overlay_start_2:
0x90: {  	(tag) =	ssettag $0x2  }
0x91: {  	s0 =	rddreg [dreg:$0x0];
	s2 =	stileid.u32  }
0x92: {  	s1 =	rddreg [dreg:$0x1];
	p0 =	sne.s32 s2, $0x0  }
0x93: {  	s3 =	rddreg [dreg:$0x2];
	[bflag:$0x3] =	sbarrier.arrive $0xFFFF;
	s2 =	simm.s32 @!p0 $0x1C0A  }
0x94: {  	[timem:s3], [sflag:s2] =	dma.local @!p0 [hbm:s0], s1  }
0x95: {  	s0 =	simm.s32 @!p0 $0xA  }
0x96: {  	_ =	swait.ge @!p0 [sflag:s0], s1  }
0x97: {  	s1 =	ssub.s32 @!p0 $0x0, s1;
	[sflag:s0] =	ssyncset.done @!p0 $0x0  }
0x98: {  	[sflag:s0] =	ssyncadd.s32 @!p0 s1  }
0x99: {  	[bflag:$0x3] =	sbarrier.arrive $0xFFFF  }
0x9a: {  	_ =	shalt  }

</sc_bundles>
